<compile_context>
chip_gen: v7x
topology: tpu7x:2x2x1
jax: 0.10.2.dev20260603
libtpu: 0.0.44.dev20260713+nightly
codegen_flags: <defaults>
</compile_context>

<pallas_src>
import functools
import math

import jax
import jax.numpy as jnp
from jax import lax
from jax.experimental import pallas as pl
from jax.experimental.pallas import tpu as pltpu
from jax.experimental.pallas import tpu_sc as plsc

D_MODEL = 64
SCALE = math.sqrt(D_MODEL)

_NC = 2
_NS = 16
_NW = _NC * _NS

_ROWS = 4096
_COLS = 200
_XPT = _ROWS // _NW
_CH0, _CH1 = 96, 104
_NSTEP = _XPT * 2
_NBUF = 4
_PRE = 2
_NGRP = _NSTEP // _NBUF


def _body(x_hbm, table_hbm, out_hbm, idx_v, rows, gsems, osems, i0):
    def chunk_params(s, b):
        il = s // 2
        if b % 2 == 0:
            return il, 0, _CH0
        return il, _CH0, _CH1

    def gather(s, b):
        il, j0, ln = chunk_params(s, b)
        return pltpu.make_async_copy(
            table_hbm.at[idx_v.at[il, pl.ds(j0, ln)]],
            rows[b].at[pl.ds(0, ln), :], gsems[b])

    def scatter(s, b):
        il, j0, ln = chunk_params(s, b)
        return pltpu.make_async_copy(
            rows[b].at[pl.ds(0, ln), :],
            out_hbm.at[i0 + il, pl.ds(j0, ln), :], osems[b])

    pltpu.sync_copy(x_hbm.at[pl.ds(i0, _XPT), :], idx_v)

    for s in range(_PRE):
        gather(s, s % _NBUF).start()

    def group(grp, carry):
        for b in range(_NBUF):
            s = grp * _NBUF + b
            s_pre = s + _PRE
            b_pre = (b + _PRE) % _NBUF

            @pl.when(s_pre < _NSTEP)
            def _():
                @pl.when(s_pre >= _NBUF)
                def _():
                    scatter(s_pre - _NBUF, b_pre).wait()
                gather(s_pre, b_pre).start()

            gather(s, b).wait()

            buf = rows[b]
            _, _, _ln = chunk_params(0, b)

            @plsc.parallel_loop(0, _ln, step=1, unroll=8)
            def _scale(r):
                for c in range(D_MODEL // 16):
                    sl = pl.ds(c * 16, 16)
                    buf[r, sl] = buf[r, sl] * SCALE

            scatter(s, b).start()
        return carry

    lax.fori_loop(0, _NGRP, group, 0)

    for b in range(_NBUF):
        scatter(_NSTEP - _NBUF + b, b).wait()


@functools.partial(
    pl.kernel,
    out_type=jax.ShapeDtypeStruct((_ROWS, _COLS, D_MODEL), jnp.float32),
    mesh=plsc.VectorSubcoreMesh(core_axis_name="c", subcore_axis_name="s"),
    compiler_params=pltpu.CompilerParams(use_tc_tiling_on_sc=False),
    scratch_types=[
        pltpu.VMEM((_XPT, _COLS), jnp.int32),
        [pltpu.VMEM((_CH1, D_MODEL), jnp.float32) for _ in range(_NBUF)],
        [pltpu.SemaphoreType.DMA for _ in range(_NBUF)],
        [pltpu.SemaphoreType.DMA for _ in range(_NBUF)],
    ],
)
def _emb_lookup(x_hbm, table_hbm, out_hbm, idx_v, rows, gsems, osems):
    wid = lax.axis_index("s") * _NC + lax.axis_index("c")
    _body(x_hbm, table_hbm, out_hbm, idx_v, rows, gsems, osems,
          wid * _XPT)


@jax.jit
def kernel(x, table):
    return _emb_lookup(x, table)

# --- scband reference (transcript-rebuilt; emitter-appended) ---
"""Pipeline reference for scband-embeddings-13134009991837 (READ-ONLY COPY).

The authoritative reference and input builder live on the scoring server;
editing this copy changes nothing except your own understanding.
"""

import jax, jax.numpy as jnp
import numpy as np
import math

D_MODEL = 64
VOCAB = 1000000
PAD = 0


def setup_inputs(seed: int = 0) -> dict:
    key = jax.random.key(seed)
    k1, k2 = jax.random.split(key)
    x = jax.random.randint(k1, (4096, 200), 0, VOCAB + 2, dtype=jnp.int32)
    table = jax.random.normal(k2, (VOCAB + 2, D_MODEL), dtype=jnp.float32) * 0.02
    # padding_idx row is initialized to zeros, matching torch.nn.Embedding(padding_idx=PAD)
    table = table.at[PAD].set(0.0)
    return {"x": x, "table": table}


def reference(x, table):
    # Embeddings.forward: self.lut(x) * sqrt(d_model)
    emb = jnp.take(table, x, axis=0)
    return emb * math.sqrt(D_MODEL)

if __name__ == "__main__":
    import jax
    _d = setup_inputs()
    print(jax.jit(kernel)(*tuple(_d.values())))

</pallas_src>

<mosaic_0001>
#map = affine_map<(d0, d1) -> (0, 0)>
#map1 = affine_map<(d0, d1) -> (0, 0, 0)>
module attributes {stable_mosaic.version = 14 : i64} {
  func.func @_emb_lookup(%arg0: i32, %arg1: i32, %arg2: memref<4096x200xi32, #tpu.memory_space<hbm>>, %arg3: memref<1000002x64xf32, #tpu.memory_space<hbm>>, %arg4: memref<4096x200x64xf32, #tpu.memory_space<hbm>>, %arg5: memref<128x200xi32, #tpu.memory_space<vmem>>, %arg6: memref<104x64xf32, #tpu.memory_space<vmem>>, %arg7: memref<104x64xf32, #tpu.memory_space<vmem>>, %arg8: memref<104x64xf32, #tpu.memory_space<vmem>>, %arg9: memref<104x64xf32, #tpu.memory_space<vmem>>, %arg10: memref<!tpu.dma_semaphore, #tpu.memory_space<semaphore_mem>>, %arg11: memref<!tpu.dma_semaphore, #tpu.memory_space<semaphore_mem>>, %arg12: memref<!tpu.dma_semaphore, #tpu.memory_space<semaphore_mem>>, %arg13: memref<!tpu.dma_semaphore, #tpu.memory_space<semaphore_mem>>, %arg14: memref<!tpu.dma_semaphore, #tpu.memory_space<semaphore_mem>>, %arg15: memref<!tpu.dma_semaphore, #tpu.memory_space<semaphore_mem>>, %arg16: memref<!tpu.dma_semaphore, #tpu.memory_space<semaphore_mem>>, %arg17: memref<!tpu.dma_semaphore, #tpu.memory_space<semaphore_mem>>) attributes {dimension_semantics = [#tpu.dimension_semantics<core_parallel>, #tpu.dimension_semantics<subcore_parallel>], iteration_bounds = array<i64: 2, 16>, scalar_prefetch = 0 : i64, scratch_operands = 13 : i64, tpu.core_type = #tpu.core_type<sc_vector_subcore>, window_params = [{transform_indices = #map}, {transform_indices = #map}, {transform_indices = #map1}]} {
    %mul3A = arith.constant 2 : i32
    %mul3A_0 = arith.muli %arg1, %mul3A : i32
    %add3A = arith.addi %mul3A_0, %arg0 : i32
    %mul3A_1 = arith.constant 128 : i32
    %mul3A_2 = arith.muli %add3A, %mul3A_1 : i32
    "tpu.region"() ({
      %run_scoped3A = tpu.sem_alloc : memref<!tpu.dma_semaphore, #tpu.memory_space<semaphore_mem>>
      %dma_start3A_90 = arith.constant 0 : i32
      %dma_start3A_91 = tpu.memref_slice %arg2[%mul3A_2, %dma_start3A_90] : memref<4096x200xi32, #tpu.memory_space<hbm>> -> memref<128x200xi32, #tpu.memory_space<hbm>>
      %dma_start3A_92 = arith.constant 0 : i32
      %dma_start3A_93 = tpu.memref_slice %arg2[%mul3A_2, %dma_start3A_92] : memref<4096x200xi32, #tpu.memory_space<hbm>> -> memref<128x200xi32, #tpu.memory_space<hbm>>
      tpu.enqueue_dma source(%dma_start3A_93 : memref<128x200xi32, #tpu.memory_space<hbm>>) target(%arg5 : memref<128x200xi32, #tpu.memory_space<vmem>>) target_semaphore(%run_scoped3A : memref<!tpu.dma_semaphore, #tpu.memory_space<semaphore_mem>>)
      %dma_wait3A_94 = arith.constant 0 : i32
      %dma_wait3A_95 = tpu.memref_slice %arg2[%mul3A_2, %dma_wait3A_94] : memref<4096x200xi32, #tpu.memory_space<hbm>> -> memref<128x200xi32, #tpu.memory_space<hbm>>
      %dma_wait3A_96 = arith.constant 0 : i32
      %dma_wait3A_97 = tpu.memref_slice %arg2[%mul3A_2, %dma_wait3A_96] : memref<4096x200xi32, #tpu.memory_space<hbm>> -> memref<128x200xi32, #tpu.memory_space<hbm>>
      tpu.wait_dma2 semaphore(%run_scoped3A : memref<!tpu.dma_semaphore, #tpu.memory_space<semaphore_mem>>) src(%dma_wait3A_97 : memref<128x200xi32, #tpu.memory_space<hbm>>) dst(%arg5 : memref<128x200xi32, #tpu.memory_space<vmem>>)
      tpu.yield
    }) : () -> ()
    %dma_start3A = arith.constant 0 : i32
    %dma_start3A_3 = arith.constant 0 : i32
    %dma_start3A_4 = arith.constant 0 : i32
    %dma_start3A_5 = tpu.memref_slice %arg6[%dma_start3A_3, %dma_start3A_4] : memref<104x64xf32, #tpu.memory_space<vmem>> -> memref<96x64xf32, #tpu.memory_space<vmem>>
    %dma_start3A_6 = arith.constant 0 : i32
    %dma_start3A_7 = tpu.memref_slice %arg5[%dma_start3A, %dma_start3A_6] : memref<128x200xi32, #tpu.memory_space<vmem>> -> memref<1x96xi32, #tpu.memory_space<vmem>>
    %dma_start3A_8 = tpu.memref_squeeze %dma_start3A_7 : memref<1x96xi32, #tpu.memory_space<vmem>> -> memref<96xi32, #tpu.memory_space<vmem>>
    %dma_start3A_9 = arith.constant 0 : i32
    %dma_start3A_10 = arith.constant 0 : i32
    %dma_start3A_11 = tpu.memref_slice %arg3[%dma_start3A_9, %dma_start3A_10] : memref<1000002x64xf32, #tpu.memory_space<hbm>> -> memref<1000002x64xf32, #tpu.memory_space<hbm>>
    tpu.enqueue_indirect_dma source(%dma_start3A_11 : memref<1000002x64xf32, #tpu.memory_space<hbm>>) target(%dma_start3A_5 : memref<96x64xf32, #tpu.memory_space<vmem>>) offsets(%dma_start3A_8 : memref<96xi32, #tpu.memory_space<vmem>>) semaphore(%arg10 : memref<!tpu.dma_semaphore, #tpu.memory_space<semaphore_mem>>)
    %dma_start3A_12 = arith.constant 0 : i32
    %dma_start3A_13 = arith.constant 0 : i32
    %dma_start3A_14 = arith.constant 0 : i32
    %dma_start3A_15 = tpu.memref_slice %arg7[%dma_start3A_13, %dma_start3A_14] : memref<104x64xf32, #tpu.memory_space<vmem>> -> memref<104x64xf32, #tpu.memory_space<vmem>>
    %dma_start3A_16 = arith.constant 96 : i32
    %dma_start3A_17 = tpu.memref_slice %arg5[%dma_start3A_12, %dma_start3A_16] : memref<128x200xi32, #tpu.memory_space<vmem>> -> memref<1x104xi32, #tpu.memory_space<vmem>>
    %dma_start3A_18 = tpu.memref_squeeze %dma_start3A_17 : memref<1x104xi32, #tpu.memory_space<vmem>> -> memref<104xi32, #tpu.memory_space<vmem>>
    %dma_start3A_19 = arith.constant 0 : i32
    %dma_start3A_20 = arith.constant 0 : i32
    %dma_start3A_21 = tpu.memref_slice %arg3[%dma_start3A_19, %dma_start3A_20] : memref<1000002x64xf32, #tpu.memory_space<hbm>> -> memref<1000002x64xf32, #tpu.memory_space<hbm>>
    tpu.enqueue_indirect_dma source(%dma_start3A_21 : memref<1000002x64xf32, #tpu.memory_space<hbm>>) target(%dma_start3A_15 : memref<104x64xf32, #tpu.memory_space<vmem>>) offsets(%dma_start3A_18 : memref<104xi32, #tpu.memory_space<vmem>>) semaphore(%arg11 : memref<!tpu.dma_semaphore, #tpu.memory_space<semaphore_mem>>)
    %scan3A = arith.constant 0 : i32
    %scan3A_22 = arith.constant 0 : i32
    %scan3A_23 = arith.constant 64 : i32
    %scan3A_24 = arith.addi %scan3A_22, %scan3A_23 : i32
    %scan3A_25 = arith.constant 1 : i32
    scf.for %scan3A_90 = %scan3A_22 to %scan3A_24 step %scan3A_25  : i32 {
      %mul3A_91 = arith.constant 4 : i32
      %mul3A_92 = arith.muli %scan3A_90, %mul3A_91 : i32
      %add3A_93 = arith.constant 0 : i32
      %add3A_94 = arith.addi %mul3A_92, %add3A_93 : i32
      %add3A_95 = arith.constant 2 : i32
      %add3A_96 = arith.addi %add3A_94, %add3A_95 : i32
      %lt3A = arith.constant 256 : i32
      %lt3A_97 = arith.cmpi slt, %add3A_96, %lt3A : i32
      %convert_element_type3A = arith.extui %lt3A_97 : i1 to i32
      %cond3A = arith.constant 0 : i32
      %cond3A_98 = arith.cmpi ne, %convert_element_type3A, %cond3A : i32
      scf.if %cond3A_98 {
        %ge3A = arith.constant 4 : i32
        %ge3A_423 = arith.cmpi sge, %add3A_96, %ge3A : i32
        %convert_element_type3A_424 = arith.extui %ge3A_423 : i1 to i32
        %cond3A_425 = arith.constant 0 : i32
        %cond3A_426 = arith.cmpi ne, %convert_element_type3A_424, %cond3A_425 : i32
        scf.if %cond3A_426 {
          %sub3A_460 = arith.constant 4 : i32
          %sub3A_461 = arith.subi %add3A_96, %sub3A_460 : i32
          %jit3A_462 = arith.constant 2 : i32
          %div3A_463 = arith.divsi %sub3A_461, %jit3A_462 : i32
          %sign3A_464 = arith.constant 0 : i32
          %sign3A_465 = arith.cmpi sgt, %sub3A_461, %sign3A_464 : i32
          %sign3A_466 = arith.extui %sign3A_465 : i1 to i32
          %sign3A_467 = arith.constant 0 : i32
          %sign3A_468 = arith.cmpi slt, %sub3A_461, %sign3A_467 : i32
          %sign3A_469 = arith.extui %sign3A_468 : i1 to i32
          %sign3A_470 = arith.subi %sign3A_466, %sign3A_469 : i32
          %sign3A_471 = arith.constant 0 : i32
          %sign3A_472 = arith.cmpi sgt, %jit3A_462, %sign3A_471 : i32
          %sign3A_473 = arith.extui %sign3A_472 : i1 to i32
          %sign3A_474 = arith.constant 0 : i32
          %sign3A_475 = arith.cmpi slt, %jit3A_462, %sign3A_474 : i32
          %sign3A_476 = arith.extui %sign3A_475 : i1 to i32
          %sign3A_477 = arith.subi %sign3A_473, %sign3A_476 : i32
          %ne3A_478 = arith.cmpi ne, %sign3A_470, %sign3A_477 : i32
          %rem3A_479 = arith.remsi %sub3A_461, %jit3A_462 : i32
          %ne3A_480 = arith.constant 0 : i32
          %ne3A_481 = arith.cmpi ne, %rem3A_479, %ne3A_480 : i32
          %and3A_482 = arith.andi %ne3A_478, %ne3A_481 : i1
          %sub3A_483 = arith.constant 1 : i32
          %sub3A_484 = arith.subi %div3A_463, %sub3A_483 : i32
          %select_n3A_485 = arith.select %and3A_482, %sub3A_484, %div3A_463 : i32
          %add3A_486 = arith.addi %mul3A_2, %select_n3A_485 : i32
          %dma_wait3A_487 = arith.constant 0 : i32
          %dma_wait3A_488 = arith.constant 0 : i32
          %dma_wait3A_489 = tpu.memref_slice %arg8[%dma_wait3A_487, %dma_wait3A_488] : memref<104x64xf32, #tpu.memory_space<vmem>> -> memref<96x64xf32, #tpu.memory_space<vmem>>
          %dma_wait3A_490 = arith.constant 0 : i32
          %dma_wait3A_491 = arith.constant 0 : i32
          %dma_wait3A_492 = tpu.memref_slice %arg4[%add3A_486, %dma_wait3A_490, %dma_wait3A_491] : memref<4096x200x64xf32, #tpu.memory_space<hbm>> -> memref<1x96x64xf32, #tpu.memory_space<hbm>>
          %dma_wait3A_493 = tpu.memref_squeeze %dma_wait3A_492 : memref<1x96x64xf32, #tpu.memory_space<hbm>> -> memref<96x64xf32, #tpu.memory_space<hbm>>
          %dma_wait3A_494 = arith.constant 0 : i32
          %dma_wait3A_495 = arith.constant 0 : i32
          %dma_wait3A_496 = tpu.memref_slice %arg4[%add3A_486, %dma_wait3A_494, %dma_wait3A_495] : memref<4096x200x64xf32, #tpu.memory_space<hbm>> -> memref<1x96x64xf32, #tpu.memory_space<hbm>>
          %dma_wait3A_497 = tpu.memref_squeeze %dma_wait3A_496 : memref<1x96x64xf32, #tpu.memory_space<hbm>> -> memref<96x64xf32, #tpu.memory_space<hbm>>
          %dma_wait3A_498 = arith.constant 0 : i32
          %dma_wait3A_499 = arith.constant 0 : i32
          %dma_wait3A_500 = tpu.memref_slice %arg8[%dma_wait3A_498, %dma_wait3A_499] : memref<104x64xf32, #tpu.memory_space<vmem>> -> memref<96x64xf32, #tpu.memory_space<vmem>>
          tpu.wait_dma2 semaphore(%arg16 : memref<!tpu.dma_semaphore, #tpu.memory_space<semaphore_mem>>) src(%dma_wait3A_500 : memref<96x64xf32, #tpu.memory_space<vmem>>) dst(%dma_wait3A_497 : memref<96x64xf32, #tpu.memory_space<hbm>>)
        } else {
        }
        %jit3A_427 = arith.constant 2 : i32
        %div3A_428 = arith.divsi %add3A_96, %jit3A_427 : i32
        %sign3A_429 = arith.constant 0 : i32
        %sign3A_430 = arith.cmpi sgt, %add3A_96, %sign3A_429 : i32
        %sign3A_431 = arith.extui %sign3A_430 : i1 to i32
        %sign3A_432 = arith.constant 0 : i32
        %sign3A_433 = arith.cmpi slt, %add3A_96, %sign3A_432 : i32
        %sign3A_434 = arith.extui %sign3A_433 : i1 to i32
        %sign3A_435 = arith.subi %sign3A_431, %sign3A_434 : i32
        %sign3A_436 = arith.constant 0 : i32
        %sign3A_437 = arith.cmpi sgt, %jit3A_427, %sign3A_436 : i32
        %sign3A_438 = arith.extui %sign3A_437 : i1 to i32
        %sign3A_439 = arith.constant 0 : i32
        %sign3A_440 = arith.cmpi slt, %jit3A_427, %sign3A_439 : i32
        %sign3A_441 = arith.extui %sign3A_440 : i1 to i32
        %sign3A_442 = arith.subi %sign3A_438, %sign3A_441 : i32
        %ne3A_443 = arith.cmpi ne, %sign3A_435, %sign3A_442 : i32
        %rem3A_444 = arith.remsi %add3A_96, %jit3A_427 : i32
        %ne3A_445 = arith.constant 0 : i32
        %ne3A_446 = arith.cmpi ne, %rem3A_444, %ne3A_445 : i32
        %and3A_447 = arith.andi %ne3A_443, %ne3A_446 : i1
        %sub3A_448 = arith.constant 1 : i32
        %sub3A_449 = arith.subi %div3A_428, %sub3A_448 : i32
        %select_n3A_450 = arith.select %and3A_447, %sub3A_449, %div3A_428 : i32
        %dma_start3A_451 = arith.constant 0 : i32
        %dma_start3A_452 = arith.constant 0 : i32
        %dma_start3A_453 = tpu.memref_slice %arg8[%dma_start3A_451, %dma_start3A_452] : memref<104x64xf32, #tpu.memory_space<vmem>> -> memref<96x64xf32, #tpu.memory_space<vmem>>
        %dma_start3A_454 = arith.constant 0 : i32
        %dma_start3A_455 = tpu.memref_slice %arg5[%select_n3A_450, %dma_start3A_454] : memref<128x200xi32, #tpu.memory_space<vmem>> -> memref<1x96xi32, #tpu.memory_space<vmem>>
        %dma_start3A_456 = tpu.memref_squeeze %dma_start3A_455 : memref<1x96xi32, #tpu.memory_space<vmem>> -> memref<96xi32, #tpu.memory_space<vmem>>
        %dma_start3A_457 = arith.constant 0 : i32
        %dma_start3A_458 = arith.constant 0 : i32
        %dma_start3A_459 = tpu.memref_slice %arg3[%dma_start3A_457, %dma_start3A_458] : memref<1000002x64xf32, #tpu.memory_space<hbm>> -> memref<1000002x64xf32, #tpu.memory_space<hbm>>
        tpu.enqueue_indirect_dma source(%dma_start3A_459 : memref<1000002x64xf32, #tpu.memory_space<hbm>>) target(%dma_start3A_453 : memref<96x64xf32, #tpu.memory_space<vmem>>) offsets(%dma_start3A_456 : memref<96xi32, #tpu.memory_space<vmem>>) semaphore(%arg12 : memref<!tpu.dma_semaphore, #tpu.memory_space<semaphore_mem>>)
      } else {
      }
      %jit3A = arith.constant 2 : i32
      %div3A = arith.divsi %add3A_94, %jit3A : i32
      %sign3A = arith.constant 0 : i32
      %sign3A_99 = arith.cmpi sgt, %add3A_94, %sign3A : i32
      %sign3A_100 = arith.extui %sign3A_99 : i1 to i32
      %sign3A_101 = arith.constant 0 : i32
      %sign3A_102 = arith.cmpi slt, %add3A_94, %sign3A_101 : i32
      %sign3A_103 = arith.extui %sign3A_102 : i1 to i32
      %sign3A_104 = arith.subi %sign3A_100, %sign3A_103 : i32
      %sign3A_105 = arith.constant 0 : i32
      %sign3A_106 = arith.cmpi sgt, %jit3A, %sign3A_105 : i32
      %sign3A_107 = arith.extui %sign3A_106 : i1 to i32
      %sign3A_108 = arith.constant 0 : i32
      %sign3A_109 = arith.cmpi slt, %jit3A, %sign3A_108 : i32
      %sign3A_110 = arith.extui %sign3A_109 : i1 to i32
      %sign3A_111 = arith.subi %sign3A_107, %sign3A_110 : i32
      %ne3A = arith.cmpi ne, %sign3A_104, %sign3A_111 : i32
      %rem3A = arith.remsi %add3A_94, %jit3A : i32
      %ne3A_112 = arith.constant 0 : i32
      %ne3A_113 = arith.cmpi ne, %rem3A, %ne3A_112 : i32
      %and3A = arith.andi %ne3A, %ne3A_113 : i1
      %sub3A = arith.constant 1 : i32
      %sub3A_114 = arith.subi %div3A, %sub3A : i32
      %select_n3A = arith.select %and3A, %sub3A_114, %div3A : i32
      %dma_wait3A_115 = arith.constant 0 : i32
      %dma_wait3A_116 = arith.constant 0 : i32
      %dma_wait3A_117 = tpu.memref_slice %arg6[%dma_wait3A_115, %dma_wait3A_116] : memref<104x64xf32, #tpu.memory_space<vmem>> -> memref<96x64xf32, #tpu.memory_space<vmem>>
      %dma_wait3A_118 = arith.constant 0 : i32
      %dma_wait3A_119 = tpu.memref_slice %arg5[%select_n3A, %dma_wait3A_118] : memref<128x200xi32, #tpu.memory_space<vmem>> -> memref<1x96xi32, #tpu.memory_space<vmem>>
      %dma_wait3A_120 = tpu.memref_squeeze %dma_wait3A_119 : memref<1x96xi32, #tpu.memory_space<vmem>> -> memref<96xi32, #tpu.memory_space<vmem>>
      %dma_wait3A_121 = arith.constant 0 : i32
      %dma_wait3A_122 = arith.constant 0 : i32
      %dma_wait3A_123 = tpu.memref_slice %arg3[%dma_wait3A_121, %dma_wait3A_122] : memref<1000002x64xf32, #tpu.memory_space<hbm>> -> memref<1000002x64xf32, #tpu.memory_space<hbm>>
      tpu.wait_indirect_dma semaphore(%arg10 : memref<!tpu.dma_semaphore, #tpu.memory_space<semaphore_mem>>) src(%dma_wait3A_123 : memref<1000002x64xf32, #tpu.memory_space<hbm>>) dst(%dma_wait3A_117 : memref<96x64xf32, #tpu.memory_space<vmem>>)
      %parallel_loop3A = arith.constant 0 : i32
      %parallel_loop3A_124 = arith.constant 96 : i32
      %parallel_loop3A_125 = arith.constant 1 : i32
      scf.for %parallel_loop3A_423 = %parallel_loop3A to %parallel_loop3A_124 step %parallel_loop3A_125  : i32 {
        %parallel_loop3A_424 = arith.index_cast %parallel_loop3A_423 : i32 to index
        %parallel_loop3A_425 = arith.constant 0 : index
        %parallel_loop3A_426 = tpu.vector_load %arg6[%parallel_loop3A_424, %parallel_loop3A_425] {strides = array<i32>} : memref<104x64xf32, #tpu.memory_space<vmem>>, vector<1x16xf32>,
        %parallel_loop3A_427 = vector.shape_cast %parallel_loop3A_426 : vector<1x16xf32> to vector<16xf32>
        %parallel_loop3A_428 = arith.constant 8.000000e+00 : f32
        %parallel_loop3A_429 = vector.broadcast %parallel_loop3A_428 : f32 to vector<16xf32>
        %parallel_loop3A_430 = arith.mulf %parallel_loop3A_427, %parallel_loop3A_429 : vector<16xf32>
        %parallel_loop3A_431 = arith.index_cast %parallel_loop3A_423 : i32 to index
        %parallel_loop3A_432 = arith.constant 0 : index
        %parallel_loop3A_433 = tpu.vector_load %arg6[%parallel_loop3A_431, %parallel_loop3A_432] {strides = array<i32>} : memref<104x64xf32, #tpu.memory_space<vmem>>, vector<1x16xf32>,
        %parallel_loop3A_434 = vector.shape_cast %parallel_loop3A_433 : vector<1x16xf32> to vector<16xf32>
        %parallel_loop3A_435 = vector.shape_cast %parallel_loop3A_430 : vector<16xf32> to vector<1x16xf32>
        tpu.vector_store %arg6[%parallel_loop3A_431, %parallel_loop3A_432], %parallel_loop3A_435 {strides = array<i32>} : memref<104x64xf32, #tpu.memory_space<vmem>>, vector<1x16xf32>,
        %parallel_loop3A_436 = arith.index_cast %parallel_loop3A_423 : i32 to index
        %parallel_loop3A_437 = arith.constant 16 : index
        %parallel_loop3A_438 = tpu.vector_load %arg6[%parallel_loop3A_436, %parallel_loop3A_437] {strides = array<i32>} : memref<104x64xf32, #tpu.memory_space<vmem>>, vector<1x16xf32>,
        %parallel_loop3A_439 = vector.shape_cast %parallel_loop3A_438 : vector<1x16xf32> to vector<16xf32>
        %parallel_loop3A_440 = arith.constant 8.000000e+00 : f32
        %parallel_loop3A_441 = vector.broadcast %parallel_loop3A_440 : f32 to vector<16xf32>
        %parallel_loop3A_442 = arith.mulf %parallel_loop3A_439, %parallel_loop3A_441 : vector<16xf32>
        %parallel_loop3A_443 = arith.index_cast %parallel_loop3A_423 : i32 to index
        %parallel_loop3A_444 = arith.constant 16 : index
        %parallel_loop3A_445 = tpu.vector_load %arg6[%parallel_loop3A_443, %parallel_loop3A_444] {strides = array<i32>} : memref<104x64xf32, #tpu.memory_space<vmem>>, vector<1x16xf32>,
        %parallel_loop3A_446 = vector.shape_cast %parallel_loop3A_445 : vector<1x16xf32> to vector<16xf32>
        %parallel_loop3A_447 = vector.shape_cast %parallel_loop3A_442 : vector<16xf32> to vector<1x16xf32>
        tpu.vector_store %arg6[%parallel_loop3A_443, %parallel_loop3A_444], %parallel_loop3A_447 {strides = array<i32>} : memref<104x64xf32, #tpu.memory_space<vmem>>, vector<1x16xf32>,
        %parallel_loop3A_448 = arith.index_cast %parallel_loop3A_423 : i32 to index
        %parallel_loop3A_449 = arith.constant 32 : index
        %parallel_loop3A_450 = tpu.vector_load %arg6[%parallel_loop3A_448, %parallel_loop3A_449] {strides = array<i32>} : memref<104x64xf32, #tpu.memory_space<vmem>>, vector<1x16xf32>,
        %parallel_loop3A_451 = vector.shape_cast %parallel_loop3A_450 : vector<1x16xf32> to vector<16xf32>
        %parallel_loop3A_452 = arith.constant 8.000000e+00 : f32
        %parallel_loop3A_453 = vector.broadcast %parallel_loop3A_452 : f32 to vector<16xf32>
        %parallel_loop3A_454 = arith.mulf %parallel_loop3A_451, %parallel_loop3A_453 : vector<16xf32>
        %parallel_loop3A_455 = arith.index_cast %parallel_loop3A_423 : i32 to index
        %parallel_loop3A_456 = arith.constant 32 : index
        %parallel_loop3A_457 = tpu.vector_load %arg6[%parallel_loop3A_455, %parallel_loop3A_456] {strides = array<i32>} : memref<104x64xf32, #tpu.memory_space<vmem>>, vector<1x16xf32>,
        %parallel_loop3A_458 = vector.shape_cast %parallel_loop3A_457 : vector<1x16xf32> to vector<16xf32>
        %parallel_loop3A_459 = vector.shape_cast %parallel_loop3A_454 : vector<16xf32> to vector<1x16xf32>
        tpu.vector_store %arg6[%parallel_loop3A_455, %parallel_loop3A_456], %parallel_loop3A_459 {strides = array<i32>} : memref<104x64xf32, #tpu.memory_space<vmem>>, vector<1x16xf32>,
        %parallel_loop3A_460 = arith.index_cast %parallel_loop3A_423 : i32 to index
        %parallel_loop3A_461 = arith.constant 48 : index
        %parallel_loop3A_462 = tpu.vector_load %arg6[%parallel_loop3A_460, %parallel_loop3A_461] {strides = array<i32>} : memref<104x64xf32, #tpu.memory_space<vmem>>, vector<1x16xf32>,
        %parallel_loop3A_463 = vector.shape_cast %parallel_loop3A_462 : vector<1x16xf32> to vector<16xf32>
        %parallel_loop3A_464 = arith.constant 8.000000e+00 : f32
        %parallel_loop3A_465 = vector.broadcast %parallel_loop3A_464 : f32 to vector<16xf32>
        %parallel_loop3A_466 = arith.mulf %parallel_loop3A_463, %parallel_loop3A_465 : vector<16xf32>
        %parallel_loop3A_467 = arith.index_cast %parallel_loop3A_423 : i32 to index
        %parallel_loop3A_468 = arith.constant 48 : index
        %parallel_loop3A_469 = tpu.vector_load %arg6[%parallel_loop3A_467, %parallel_loop3A_468] {strides = array<i32>} : memref<104x64xf32, #tpu.memory_space<vmem>>, vector<1x16xf32>,
        %parallel_loop3A_470 = vector.shape_cast %parallel_loop3A_469 : vector<1x16xf32> to vector<16xf32>
        %parallel_loop3A_471 = vector.shape_cast %parallel_loop3A_466 : vector<16xf32> to vector<1x16xf32>
        tpu.vector_store %arg6[%parallel_loop3A_467, %parallel_loop3A_468], %parallel_loop3A_471 {strides = array<i32>} : memref<104x64xf32, #tpu.memory_space<vmem>>, vector<1x16xf32>,
      } {sc.loop_unroll_factor = 8 : i64, sc.parallel_access}
      %jit3A_126 = arith.constant 2 : i32
      %div3A_127 = arith.divsi %add3A_94, %jit3A_126 : i32
      %sign3A_128 = arith.constant 0 : i32
      %sign3A_129 = arith.cmpi sgt, %add3A_94, %sign3A_128 : i32
      %sign3A_130 = arith.extui %sign3A_129 : i1 to i32
      %sign3A_131 = arith.constant 0 : i32
      %sign3A_132 = arith.cmpi slt, %add3A_94, %sign3A_131 : i32
      %sign3A_133 = arith.extui %sign3A_132 : i1 to i32
      %sign3A_134 = arith.subi %sign3A_130, %sign3A_133 : i32
      %sign3A_135 = arith.constant 0 : i32
      %sign3A_136 = arith.cmpi sgt, %jit3A_126, %sign3A_135 : i32
      %sign3A_137 = arith.extui %sign3A_136 : i1 to i32
      %sign3A_138 = arith.constant 0 : i32
      %sign3A_139 = arith.cmpi slt, %jit3A_126, %sign3A_138 : i32
      %sign3A_140 = arith.extui %sign3A_139 : i1 to i32
      %sign3A_141 = arith.subi %sign3A_137, %sign3A_140 : i32
      %ne3A_142 = arith.cmpi ne, %sign3A_134, %sign3A_141 : i32
      %rem3A_143 = arith.remsi %add3A_94, %jit3A_126 : i32
      %ne3A_144 = arith.constant 0 : i32
      %ne3A_145 = arith.cmpi ne, %rem3A_143, %ne3A_144 : i32
      %and3A_146 = arith.andi %ne3A_142, %ne3A_145 : i1
      %sub3A_147 = arith.constant 1 : i32
      %sub3A_148 = arith.subi %div3A_127, %sub3A_147 : i32
      %select_n3A_149 = arith.select %and3A_146, %sub3A_148, %div3A_127 : i32
      %add3A_150 = arith.addi %mul3A_2, %select_n3A_149 : i32
      %dma_start3A_151 = arith.constant 0 : i32
      %dma_start3A_152 = arith.constant 0 : i32
      %dma_start3A_153 = tpu.memref_slice %arg6[%dma_start3A_151, %dma_start3A_152] : memref<104x64xf32, #tpu.memory_space<vmem>> -> memref<96x64xf32, #tpu.memory_space<vmem>>
      %dma_start3A_154 = arith.constant 0 : i32
      %dma_start3A_155 = arith.constant 0 : i32
      %dma_start3A_156 = tpu.memref_slice %arg4[%add3A_150, %dma_start3A_154, %dma_start3A_155] : memref<4096x200x64xf32, #tpu.memory_space<hbm>> -> memref<1x96x64xf32, #tpu.memory_space<hbm>>
      %dma_start3A_157 = tpu.memref_squeeze %dma_start3A_156 : memref<1x96x64xf32, #tpu.memory_space<hbm>> -> memref<96x64xf32, #tpu.memory_space<hbm>>
      %dma_start3A_158 = arith.constant 0 : i32
      %dma_start3A_159 = arith.constant 0 : i32
      %dma_start3A_160 = tpu.memref_slice %arg4[%add3A_150, %dma_start3A_158, %dma_start3A_159] : memref<4096x200x64xf32, #tpu.memory_space<hbm>> -> memref<1x96x64xf32, #tpu.memory_space<hbm>>
      %dma_start3A_161 = tpu.memref_squeeze %dma_start3A_160 : memref<1x96x64xf32, #tpu.memory_space<hbm>> -> memref<96x64xf32, #tpu.memory_space<hbm>>
      %dma_start3A_162 = arith.constant 0 : i32
      %dma_start3A_163 = arith.constant 0 : i32
      %dma_start3A_164 = tpu.memref_slice %arg6[%dma_start3A_162, %dma_start3A_163] : memref<104x64xf32, #tpu.memory_space<vmem>> -> memref<96x64xf32, #tpu.memory_space<vmem>>
      tpu.enqueue_dma source(%dma_start3A_164 : memref<96x64xf32, #tpu.memory_space<vmem>>) target(%dma_start3A_161 : memref<96x64xf32, #tpu.memory_space<hbm>>) target_semaphore(%arg14 : memref<!tpu.dma_semaphore, #tpu.memory_space<semaphore_mem>>)
      %mul3A_165 = arith.constant 4 : i32
      %mul3A_166 = arith.muli %scan3A_90, %mul3A_165 : i32
      %add3A_167 = arith.constant 1 : i32
      %add3A_168 = arith.addi %mul3A_166, %add3A_167 : i32
      %add3A_169 = arith.constant 2 : i32
      %add3A_170 = arith.addi %add3A_168, %add3A_169 : i32
      %lt3A_171 = arith.constant 256 : i32
      %lt3A_172 = arith.cmpi slt, %add3A_170, %lt3A_171 : i32
      %convert_element_type3A_173 = arith.extui %lt3A_172 : i1 to i32
      %cond3A_174 = arith.constant 0 : i32
      %cond3A_175 = arith.cmpi ne, %convert_element_type3A_173, %cond3A_174 : i32
      scf.if %cond3A_175 {
        %ge3A = arith.constant 4 : i32
        %ge3A_423 = arith.cmpi sge, %add3A_170, %ge3A : i32
        %convert_element_type3A_424 = arith.extui %ge3A_423 : i1 to i32
        %cond3A_425 = arith.constant 0 : i32
        %cond3A_426 = arith.cmpi ne, %convert_element_type3A_424, %cond3A_425 : i32
        scf.if %cond3A_426 {
          %sub3A_460 = arith.constant 4 : i32
          %sub3A_461 = arith.subi %add3A_170, %sub3A_460 : i32
          %jit3A_462 = arith.constant 2 : i32
          %div3A_463 = arith.divsi %sub3A_461, %jit3A_462 : i32
          %sign3A_464 = arith.constant 0 : i32
          %sign3A_465 = arith.cmpi sgt, %sub3A_461, %sign3A_464 : i32
          %sign3A_466 = arith.extui %sign3A_465 : i1 to i32
          %sign3A_467 = arith.constant 0 : i32
          %sign3A_468 = arith.cmpi slt, %sub3A_461, %sign3A_467 : i32
          %sign3A_469 = arith.extui %sign3A_468 : i1 to i32
          %sign3A_470 = arith.subi %sign3A_466, %sign3A_469 : i32
          %sign3A_471 = arith.constant 0 : i32
          %sign3A_472 = arith.cmpi sgt, %jit3A_462, %sign3A_471 : i32
          %sign3A_473 = arith.extui %sign3A_472 : i1 to i32
          %sign3A_474 = arith.constant 0 : i32
          %sign3A_475 = arith.cmpi slt, %jit3A_462, %sign3A_474 : i32
          %sign3A_476 = arith.extui %sign3A_475 : i1 to i32
          %sign3A_477 = arith.subi %sign3A_473, %sign3A_476 : i32
          %ne3A_478 = arith.cmpi ne, %sign3A_470, %sign3A_477 : i32
          %rem3A_479 = arith.remsi %sub3A_461, %jit3A_462 : i32
          %ne3A_480 = arith.constant 0 : i32
          %ne3A_481 = arith.cmpi ne, %rem3A_479, %ne3A_480 : i32
          %and3A_482 = arith.andi %ne3A_478, %ne3A_481 : i1
          %sub3A_483 = arith.constant 1 : i32
          %sub3A_484 = arith.subi %div3A_463, %sub3A_483 : i32
          %select_n3A_485 = arith.select %and3A_482, %sub3A_484, %div3A_463 : i32
          %add3A_486 = arith.addi %mul3A_2, %select_n3A_485 : i32
          %dma_wait3A_487 = arith.constant 0 : i32
          %dma_wait3A_488 = arith.constant 0 : i32
          %dma_wait3A_489 = tpu.memref_slice %arg9[%dma_wait3A_487, %dma_wait3A_488] : memref<104x64xf32, #tpu.memory_space<vmem>> -> memref<104x64xf32, #tpu.memory_space<vmem>>
          %dma_wait3A_490 = arith.constant 96 : i32
          %dma_wait3A_491 = arith.constant 0 : i32
          %dma_wait3A_492 = tpu.memref_slice %arg4[%add3A_486, %dma_wait3A_490, %dma_wait3A_491] : memref<4096x200x64xf32, #tpu.memory_space<hbm>> -> memref<1x104x64xf32, #tpu.memory_space<hbm>>
          %dma_wait3A_493 = tpu.memref_squeeze %dma_wait3A_492 : memref<1x104x64xf32, #tpu.memory_space<hbm>> -> memref<104x64xf32, #tpu.memory_space<hbm>>
          %dma_wait3A_494 = arith.constant 96 : i32
          %dma_wait3A_495 = arith.constant 0 : i32
          %dma_wait3A_496 = tpu.memref_slice %arg4[%add3A_486, %dma_wait3A_494, %dma_wait3A_495] : memref<4096x200x64xf32, #tpu.memory_space<hbm>> -> memref<1x104x64xf32, #tpu.memory_space<hbm>>
          %dma_wait3A_497 = tpu.memref_squeeze %dma_wait3A_496 : memref<1x104x64xf32, #tpu.memory_space<hbm>> -> memref<104x64xf32, #tpu.memory_space<hbm>>
          %dma_wait3A_498 = arith.constant 0 : i32
          %dma_wait3A_499 = arith.constant 0 : i32
          %dma_wait3A_500 = tpu.memref_slice %arg9[%dma_wait3A_498, %dma_wait3A_499] : memref<104x64xf32, #tpu.memory_space<vmem>> -> memref<104x64xf32, #tpu.memory_space<vmem>>
          tpu.wait_dma2 semaphore(%arg17 : memref<!tpu.dma_semaphore, #tpu.memory_space<semaphore_mem>>) src(%dma_wait3A_500 : memref<104x64xf32, #tpu.memory_space<vmem>>) dst(%dma_wait3A_497 : memref<104x64xf32, #tpu.memory_space<hbm>>)
        } else {
        }
        %jit3A_427 = arith.constant 2 : i32
        %div3A_428 = arith.divsi %add3A_170, %jit3A_427 : i32
        %sign3A_429 = arith.constant 0 : i32
        %sign3A_430 = arith.cmpi sgt, %add3A_170, %sign3A_429 : i32
        %sign3A_431 = arith.extui %sign3A_430 : i1 to i32
        %sign3A_432 = arith.constant 0 : i32
        %sign3A_433 = arith.cmpi slt, %add3A_170, %sign3A_432 : i32
        %sign3A_434 = arith.extui %sign3A_433 : i1 to i32
        %sign3A_435 = arith.subi %sign3A_431, %sign3A_434 : i32
        %sign3A_436 = arith.constant 0 : i32
        %sign3A_437 = arith.cmpi sgt, %jit3A_427, %sign3A_436 : i32
        %sign3A_438 = arith.extui %sign3A_437 : i1 to i32
        %sign3A_439 = arith.constant 0 : i32
        %sign3A_440 = arith.cmpi slt, %jit3A_427, %sign3A_439 : i32
        %sign3A_441 = arith.extui %sign3A_440 : i1 to i32
        %sign3A_442 = arith.subi %sign3A_438, %sign3A_441 : i32
        %ne3A_443 = arith.cmpi ne, %sign3A_435, %sign3A_442 : i32
        %rem3A_444 = arith.remsi %add3A_170, %jit3A_427 : i32
        %ne3A_445 = arith.constant 0 : i32
        %ne3A_446 = arith.cmpi ne, %rem3A_444, %ne3A_445 : i32
        %and3A_447 = arith.andi %ne3A_443, %ne3A_446 : i1
        %sub3A_448 = arith.constant 1 : i32
        %sub3A_449 = arith.subi %div3A_428, %sub3A_448 : i32
        %select_n3A_450 = arith.select %and3A_447, %sub3A_449, %div3A_428 : i32
        %dma_start3A_451 = arith.constant 0 : i32
        %dma_start3A_452 = arith.constant 0 : i32
        %dma_start3A_453 = tpu.memref_slice %arg9[%dma_start3A_451, %dma_start3A_452] : memref<104x64xf32, #tpu.memory_space<vmem>> -> memref<104x64xf32, #tpu.memory_space<vmem>>
        %dma_start3A_454 = arith.constant 96 : i32
        %dma_start3A_455 = tpu.memref_slice %arg5[%select_n3A_450, %dma_start3A_454] : memref<128x200xi32, #tpu.memory_space<vmem>> -> memref<1x104xi32, #tpu.memory_space<vmem>>
        %dma_start3A_456 = tpu.memref_squeeze %dma_start3A_455 : memref<1x104xi32, #tpu.memory_space<vmem>> -> memref<104xi32, #tpu.memory_space<vmem>>
        %dma_start3A_457 = arith.constant 0 : i32
        %dma_start3A_458 = arith.constant 0 : i32
        %dma_start3A_459 = tpu.memref_slice %arg3[%dma_start3A_457, %dma_start3A_458] : memref<1000002x64xf32, #tpu.memory_space<hbm>> -> memref<1000002x64xf32, #tpu.memory_space<hbm>>
        tpu.enqueue_indirect_dma source(%dma_start3A_459 : memref<1000002x64xf32, #tpu.memory_space<hbm>>) target(%dma_start3A_453 : memref<104x64xf32, #tpu.memory_space<vmem>>) offsets(%dma_start3A_456 : memref<104xi32, #tpu.memory_space<vmem>>) semaphore(%arg13 : memref<!tpu.dma_semaphore, #tpu.memory_space<semaphore_mem>>)
      } else {
      }
      %jit3A_176 = arith.constant 2 : i32
      %div3A_177 = arith.divsi %add3A_168, %jit3A_176 : i32
      %sign3A_178 = arith.constant 0 : i32
      %sign3A_179 = arith.cmpi sgt, %add3A_168, %sign3A_178 : i32
      %sign3A_180 = arith.extui %sign3A_179 : i1 to i32
      %sign3A_181 = arith.constant 0 : i32
      %sign3A_182 = arith.cmpi slt, %add3A_168, %sign3A_181 : i32
      %sign3A_183 = arith.extui %sign3A_182 : i1 to i32
      %sign3A_184 = arith.subi %sign3A_180, %sign3A_183 : i32
      %sign3A_185 = arith.constant 0 : i32
      %sign3A_186 = arith.cmpi sgt, %jit3A_176, %sign3A_185 : i32
      %sign3A_187 = arith.extui %sign3A_186 : i1 to i32
      %sign3A_188 = arith.constant 0 : i32
      %sign3A_189 = arith.cmpi slt, %jit3A_176, %sign3A_188 : i32
      %sign3A_190 = arith.extui %sign3A_189 : i1 to i32
      %sign3A_191 = arith.subi %sign3A_187, %sign3A_190 : i32
      %ne3A_192 = arith.cmpi ne, %sign3A_184, %sign3A_191 : i32
      %rem3A_193 = arith.remsi %add3A_168, %jit3A_176 : i32
      %ne3A_194 = arith.constant 0 : i32
      %ne3A_195 = arith.cmpi ne, %rem3A_193, %ne3A_194 : i32
      %and3A_196 = arith.andi %ne3A_192, %ne3A_195 : i1
      %sub3A_197 = arith.constant 1 : i32
      %sub3A_198 = arith.subi %div3A_177, %sub3A_197 : i32
      %select_n3A_199 = arith.select %and3A_196, %sub3A_198, %div3A_177 : i32
      %dma_wait3A_200 = arith.constant 0 : i32
      %dma_wait3A_201 = arith.constant 0 : i32
      %dma_wait3A_202 = tpu.memref_slice %arg7[%dma_wait3A_200, %dma_wait3A_201] : memref<104x64xf32, #tpu.memory_space<vmem>> -> memref<104x64xf32, #tpu.memory_space<vmem>>
      %dma_wait3A_203 = arith.constant 96 : i32
      %dma_wait3A_204 = tpu.memref_slice %arg5[%select_n3A_199, %dma_wait3A_203] : memref<128x200xi32, #tpu.memory_space<vmem>> -> memref<1x104xi32, #tpu.memory_space<vmem>>
      %dma_wait3A_205 = tpu.memref_squeeze %dma_wait3A_204 : memref<1x104xi32, #tpu.memory_space<vmem>> -> memref<104xi32, #tpu.memory_space<vmem>>
      %dma_wait3A_206 = arith.constant 0 : i32
      %dma_wait3A_207 = arith.constant 0 : i32
      %dma_wait3A_208 = tpu.memref_slice %arg3[%dma_wait3A_206, %dma_wait3A_207] : memref<1000002x64xf32, #tpu.memory_space<hbm>> -> memref<1000002x64xf32, #tpu.memory_space<hbm>>
      tpu.wait_indirect_dma semaphore(%arg11 : memref<!tpu.dma_semaphore, #tpu.memory_space<semaphore_mem>>) src(%dma_wait3A_208 : memref<1000002x64xf32, #tpu.memory_space<hbm>>) dst(%dma_wait3A_202 : memref<104x64xf32, #tpu.memory_space<vmem>>)
      %parallel_loop3A_209 = arith.constant 0 : i32
      %parallel_loop3A_210 = arith.constant 104 : i32
      %parallel_loop3A_211 = arith.constant 1 : i32
      scf.for %parallel_loop3A_423 = %parallel_loop3A_209 to %parallel_loop3A_210 step %parallel_loop3A_211  : i32 {
        %parallel_loop3A_424 = arith.index_cast %parallel_loop3A_423 : i32 to index
        %parallel_loop3A_425 = arith.constant 0 : index
        %parallel_loop3A_426 = tpu.vector_load %arg7[%parallel_loop3A_424, %parallel_loop3A_425] {strides = array<i32>} : memref<104x64xf32, #tpu.memory_space<vmem>>, vector<1x16xf32>,
        %parallel_loop3A_427 = vector.shape_cast %parallel_loop3A_426 : vector<1x16xf32> to vector<16xf32>
        %parallel_loop3A_428 = arith.constant 8.000000e+00 : f32
        %parallel_loop3A_429 = vector.broadcast %parallel_loop3A_428 : f32 to vector<16xf32>
        %parallel_loop3A_430 = arith.mulf %parallel_loop3A_427, %parallel_loop3A_429 : vector<16xf32>
        %parallel_loop3A_431 = arith.index_cast %parallel_loop3A_423 : i32 to index
        %parallel_loop3A_432 = arith.constant 0 : index
        %parallel_loop3A_433 = tpu.vector_load %arg7[%parallel_loop3A_431, %parallel_loop3A_432] {strides = array<i32>} : memref<104x64xf32, #tpu.memory_space<vmem>>, vector<1x16xf32>,
        %parallel_loop3A_434 = vector.shape_cast %parallel_loop3A_433 : vector<1x16xf32> to vector<16xf32>
        %parallel_loop3A_435 = vector.shape_cast %parallel_loop3A_430 : vector<16xf32> to vector<1x16xf32>
        tpu.vector_store %arg7[%parallel_loop3A_431, %parallel_loop3A_432], %parallel_loop3A_435 {strides = array<i32>} : memref<104x64xf32, #tpu.memory_space<vmem>>, vector<1x16xf32>,
        %parallel_loop3A_436 = arith.index_cast %parallel_loop3A_423 : i32 to index
        %parallel_loop3A_437 = arith.constant 16 : index
        %parallel_loop3A_438 = tpu.vector_load %arg7[%parallel_loop3A_436, %parallel_loop3A_437] {strides = array<i32>} : memref<104x64xf32, #tpu.memory_space<vmem>>, vector<1x16xf32>,
        %parallel_loop3A_439 = vector.shape_cast %parallel_loop3A_438 : vector<1x16xf32> to vector<16xf32>
        %parallel_loop3A_440 = arith.constant 8.000000e+00 : f32
        %parallel_loop3A_441 = vector.broadcast %parallel_loop3A_440 : f32 to vector<16xf32>
        %parallel_loop3A_442 = arith.mulf %parallel_loop3A_439, %parallel_loop3A_441 : vector<16xf32>
        %parallel_loop3A_443 = arith.index_cast %parallel_loop3A_423 : i32 to index
        %parallel_loop3A_444 = arith.constant 16 : index
        %parallel_loop3A_445 = tpu.vector_load %arg7[%parallel_loop3A_443, %parallel_loop3A_444] {strides = array<i32>} : memref<104x64xf32, #tpu.memory_space<vmem>>, vector<1x16xf32>,
        %parallel_loop3A_446 = vector.shape_cast %parallel_loop3A_445 : vector<1x16xf32> to vector<16xf32>
        %parallel_loop3A_447 = vector.shape_cast %parallel_loop3A_442 : vector<16xf32> to vector<1x16xf32>
        tpu.vector_store %arg7[%parallel_loop3A_443, %parallel_loop3A_444], %parallel_loop3A_447 {strides = array<i32>} : memref<104x64xf32, #tpu.memory_space<vmem>>, vector<1x16xf32>,
        %parallel_loop3A_448 = arith.index_cast %parallel_loop3A_423 : i32 to index
        %parallel_loop3A_449 = arith.constant 32 : index
        %parallel_loop3A_450 = tpu.vector_load %arg7[%parallel_loop3A_448, %parallel_loop3A_449] {strides = array<i32>} : memref<104x64xf32, #tpu.memory_space<vmem>>, vector<1x16xf32>,
        %parallel_loop3A_451 = vector.shape_cast %parallel_loop3A_450 : vector<1x16xf32> to vector<16xf32>
        %parallel_loop3A_452 = arith.constant 8.000000e+00 : f32
        %parallel_loop3A_453 = vector.broadcast %parallel_loop3A_452 : f32 to vector<16xf32>
        %parallel_loop3A_454 = arith.mulf %parallel_loop3A_451, %parallel_loop3A_453 : vector<16xf32>
        %parallel_loop3A_455 = arith.index_cast %parallel_loop3A_423 : i32 to index
        %parallel_loop3A_456 = arith.constant 32 : index
        %parallel_loop3A_457 = tpu.vector_load %arg7[%parallel_loop3A_455, %parallel_loop3A_456] {strides = array<i32>} : memref<104x64xf32, #tpu.memory_space<vmem>>, vector<1x16xf32>,
        %parallel_loop3A_458 = vector.shape_cast %parallel_loop3A_457 : vector<1x16xf32> to vector<16xf32>
        %parallel_loop3A_459 = vector.shape_cast %parallel_loop3A_454 : vector<16xf32> to vector<1x16xf32>
        tpu.vector_store %arg7[%parallel_loop3A_455, %parallel_loop3A_456], %parallel_loop3A_459 {strides = array<i32>} : memref<104x64xf32, #tpu.memory_space<vmem>>, vector<1x16xf32>,
        %parallel_loop3A_460 = arith.index_cast %parallel_loop3A_423 : i32 to index
        %parallel_loop3A_461 = arith.constant 48 : index
        %parallel_loop3A_462 = tpu.vector_load %arg7[%parallel_loop3A_460, %parallel_loop3A_461] {strides = array<i32>} : memref<104x64xf32, #tpu.memory_space<vmem>>, vector<1x16xf32>,
        %parallel_loop3A_463 = vector.shape_cast %parallel_loop3A_462 : vector<1x16xf32> to vector<16xf32>
        %parallel_loop3A_464 = arith.constant 8.000000e+00 : f32
        %parallel_loop3A_465 = vector.broadcast %parallel_loop3A_464 : f32 to vector<16xf32>
        %parallel_loop3A_466 = arith.mulf %parallel_loop3A_463, %parallel_loop3A_465 : vector<16xf32>
        %parallel_loop3A_467 = arith.index_cast %parallel_loop3A_423 : i32 to index
        %parallel_loop3A_468 = arith.constant 48 : index
        %parallel_loop3A_469 = tpu.vector_load %arg7[%parallel_loop3A_467, %parallel_loop3A_468] {strides = array<i32>} : memref<104x64xf32, #tpu.memory_space<vmem>>, vector<1x16xf32>,
        %parallel_loop3A_470 = vector.shape_cast %parallel_loop3A_469 : vector<1x16xf32> to vector<16xf32>
        %parallel_loop3A_471 = vector.shape_cast %parallel_loop3A_466 : vector<16xf32> to vector<1x16xf32>
        tpu.vector_store %arg7[%parallel_loop3A_467, %parallel_loop3A_468], %parallel_loop3A_471 {strides = array<i32>} : memref<104x64xf32, #tpu.memory_space<vmem>>, vector<1x16xf32>,
      } {sc.loop_unroll_factor = 8 : i64, sc.parallel_access}
      %jit3A_212 = arith.constant 2 : i32
      %div3A_213 = arith.divsi %add3A_168, %jit3A_212 : i32
      %sign3A_214 = arith.constant 0 : i32
      %sign3A_215 = arith.cmpi sgt, %add3A_168, %sign3A_214 : i32
      %sign3A_216 = arith.extui %sign3A_215 : i1 to i32
      %sign3A_217 = arith.constant 0 : i32
      %sign3A_218 = arith.cmpi slt, %add3A_168, %sign3A_217 : i32
      %sign3A_219 = arith.extui %sign3A_218 : i1 to i32
      %sign3A_220 = arith.subi %sign3A_216, %sign3A_219 : i32
      %sign3A_221 = arith.constant 0 : i32
      %sign3A_222 = arith.cmpi sgt, %jit3A_212, %sign3A_221 : i32
      %sign3A_223 = arith.extui %sign3A_222 : i1 to i32
      %sign3A_224 = arith.constant 0 : i32
      %sign3A_225 = arith.cmpi slt, %jit3A_212, %sign3A_224 : i32
      %sign3A_226 = arith.extui %sign3A_225 : i1 to i32
      %sign3A_227 = arith.subi %sign3A_223, %sign3A_226 : i32
      %ne3A_228 = arith.cmpi ne, %sign3A_220, %sign3A_227 : i32
      %rem3A_229 = arith.remsi %add3A_168, %jit3A_212 : i32
      %ne3A_230 = arith.constant 0 : i32
      %ne3A_231 = arith.cmpi ne, %rem3A_229, %ne3A_230 : i32
      %and3A_232 = arith.andi %ne3A_228, %ne3A_231 : i1
      %sub3A_233 = arith.constant 1 : i32
      %sub3A_234 = arith.subi %div3A_213, %sub3A_233 : i32
      %select_n3A_235 = arith.select %and3A_232, %sub3A_234, %div3A_213 : i32
      %add3A_236 = arith.addi %mul3A_2, %select_n3A_235 : i32
      %dma_start3A_237 = arith.constant 0 : i32
      %dma_start3A_238 = arith.constant 0 : i32
      %dma_start3A_239 = tpu.memref_slice %arg7[%dma_start3A_237, %dma_start3A_238] : memref<104x64xf32, #tpu.memory_space<vmem>> -> memref<104x64xf32, #tpu.memory_space<vmem>>
      %dma_start3A_240 = arith.constant 96 : i32
      %dma_start3A_241 = arith.constant 0 : i32
      %dma_start3A_242 = tpu.memref_slice %arg4[%add3A_236, %dma_start3A_240, %dma_start3A_241] : memref<4096x200x64xf32, #tpu.memory_space<hbm>> -> memref<1x104x64xf32, #tpu.memory_space<hbm>>
      %dma_start3A_243 = tpu.memref_squeeze %dma_start3A_242 : memref<1x104x64xf32, #tpu.memory_space<hbm>> -> memref<104x64xf32, #tpu.memory_space<hbm>>
      %dma_start3A_244 = arith.constant 96 : i32
      %dma_start3A_245 = arith.constant 0 : i32
      %dma_start3A_246 = tpu.memref_slice %arg4[%add3A_236, %dma_start3A_244, %dma_start3A_245] : memref<4096x200x64xf32, #tpu.memory_space<hbm>> -> memref<1x104x64xf32, #tpu.memory_space<hbm>>
      %dma_start3A_247 = tpu.memref_squeeze %dma_start3A_246 : memref<1x104x64xf32, #tpu.memory_space<hbm>> -> memref<104x64xf32, #tpu.memory_space<hbm>>
      %dma_start3A_248 = arith.constant 0 : i32
      %dma_start3A_249 = arith.constant 0 : i32
      %dma_start3A_250 = tpu.memref_slice %arg7[%dma_start3A_248, %dma_start3A_249] : memref<104x64xf32, #tpu.memory_space<vmem>> -> memref<104x64xf32, #tpu.memory_space<vmem>>
      tpu.enqueue_dma source(%dma_start3A_250 : memref<104x64xf32, #tpu.memory_space<vmem>>) target(%dma_start3A_247 : memref<104x64xf32, #tpu.memory_space<hbm>>) target_semaphore(%arg15 : memref<!tpu.dma_semaphore, #tpu.memory_space<semaphore_mem>>)
      %mul3A_251 = arith.constant 4 : i32
      %mul3A_252 = arith.muli %scan3A_90, %mul3A_251 : i32
      %add3A_253 = arith.constant 2 : i32
      %add3A_254 = arith.addi %mul3A_252, %add3A_253 : i32
      %add3A_255 = arith.constant 2 : i32
      %add3A_256 = arith.addi %add3A_254, %add3A_255 : i32
      %lt3A_257 = arith.constant 256 : i32
      %lt3A_258 = arith.cmpi slt, %add3A_256, %lt3A_257 : i32
      %convert_element_type3A_259 = arith.extui %lt3A_258 : i1 to i32
      %cond3A_260 = arith.constant 0 : i32
      %cond3A_261 = arith.cmpi ne, %convert_element_type3A_259, %cond3A_260 : i32
      scf.if %cond3A_261 {
        %ge3A = arith.constant 4 : i32
        %ge3A_423 = arith.cmpi sge, %add3A_256, %ge3A : i32
        %convert_element_type3A_424 = arith.extui %ge3A_423 : i1 to i32
        %cond3A_425 = arith.constant 0 : i32
        %cond3A_426 = arith.cmpi ne, %convert_element_type3A_424, %cond3A_425 : i32
        scf.if %cond3A_426 {
          %sub3A_460 = arith.constant 4 : i32
          %sub3A_461 = arith.subi %add3A_256, %sub3A_460 : i32
          %jit3A_462 = arith.constant 2 : i32
          %div3A_463 = arith.divsi %sub3A_461, %jit3A_462 : i32
          %sign3A_464 = arith.constant 0 : i32
          %sign3A_465 = arith.cmpi sgt, %sub3A_461, %sign3A_464 : i32
          %sign3A_466 = arith.extui %sign3A_465 : i1 to i32
          %sign3A_467 = arith.constant 0 : i32
          %sign3A_468 = arith.cmpi slt, %sub3A_461, %sign3A_467 : i32
          %sign3A_469 = arith.extui %sign3A_468 : i1 to i32
          %sign3A_470 = arith.subi %sign3A_466, %sign3A_469 : i32
          %sign3A_471 = arith.constant 0 : i32
          %sign3A_472 = arith.cmpi sgt, %jit3A_462, %sign3A_471 : i32
          %sign3A_473 = arith.extui %sign3A_472 : i1 to i32
          %sign3A_474 = arith.constant 0 : i32
          %sign3A_475 = arith.cmpi slt, %jit3A_462, %sign3A_474 : i32
          %sign3A_476 = arith.extui %sign3A_475 : i1 to i32
          %sign3A_477 = arith.subi %sign3A_473, %sign3A_476 : i32
          %ne3A_478 = arith.cmpi ne, %sign3A_470, %sign3A_477 : i32
          %rem3A_479 = arith.remsi %sub3A_461, %jit3A_462 : i32
          %ne3A_480 = arith.constant 0 : i32
          %ne3A_481 = arith.cmpi ne, %rem3A_479, %ne3A_480 : i32
          %and3A_482 = arith.andi %ne3A_478, %ne3A_481 : i1
          %sub3A_483 = arith.constant 1 : i32
          %sub3A_484 = arith.subi %div3A_463, %sub3A_483 : i32
          %select_n3A_485 = arith.select %and3A_482, %sub3A_484, %div3A_463 : i32
          %add3A_486 = arith.addi %mul3A_2, %select_n3A_485 : i32
          %dma_wait3A_487 = arith.constant 0 : i32
          %dma_wait3A_488 = arith.constant 0 : i32
          %dma_wait3A_489 = tpu.memref_slice %arg6[%dma_wait3A_487, %dma_wait3A_488] : memref<104x64xf32, #tpu.memory_space<vmem>> -> memref<96x64xf32, #tpu.memory_space<vmem>>
          %dma_wait3A_490 = arith.constant 0 : i32
          %dma_wait3A_491 = arith.constant 0 : i32
          %dma_wait3A_492 = tpu.memref_slice %arg4[%add3A_486, %dma_wait3A_490, %dma_wait3A_491] : memref<4096x200x64xf32, #tpu.memory_space<hbm>> -> memref<1x96x64xf32, #tpu.memory_space<hbm>>
          %dma_wait3A_493 = tpu.memref_squeeze %dma_wait3A_492 : memref<1x96x64xf32, #tpu.memory_space<hbm>> -> memref<96x64xf32, #tpu.memory_space<hbm>>
          %dma_wait3A_494 = arith.constant 0 : i32
          %dma_wait3A_495 = arith.constant 0 : i32
          %dma_wait3A_496 = tpu.memref_slice %arg4[%add3A_486, %dma_wait3A_494, %dma_wait3A_495] : memref<4096x200x64xf32, #tpu.memory_space<hbm>> -> memref<1x96x64xf32, #tpu.memory_space<hbm>>
          %dma_wait3A_497 = tpu.memref_squeeze %dma_wait3A_496 : memref<1x96x64xf32, #tpu.memory_space<hbm>> -> memref<96x64xf32, #tpu.memory_space<hbm>>
          %dma_wait3A_498 = arith.constant 0 : i32
          %dma_wait3A_499 = arith.constant 0 : i32
          %dma_wait3A_500 = tpu.memref_slice %arg6[%dma_wait3A_498, %dma_wait3A_499] : memref<104x64xf32, #tpu.memory_space<vmem>> -> memref<96x64xf32, #tpu.memory_space<vmem>>
          tpu.wait_dma2 semaphore(%arg14 : memref<!tpu.dma_semaphore, #tpu.memory_space<semaphore_mem>>) src(%dma_wait3A_500 : memref<96x64xf32, #tpu.memory_space<vmem>>) dst(%dma_wait3A_497 : memref<96x64xf32, #tpu.memory_space<hbm>>)
        } else {
        }
        %jit3A_427 = arith.constant 2 : i32
        %div3A_428 = arith.divsi %add3A_256, %jit3A_427 : i32
        %sign3A_429 = arith.constant 0 : i32
        %sign3A_430 = arith.cmpi sgt, %add3A_256, %sign3A_429 : i32
        %sign3A_431 = arith.extui %sign3A_430 : i1 to i32
        %sign3A_432 = arith.constant 0 : i32
        %sign3A_433 = arith.cmpi slt, %add3A_256, %sign3A_432 : i32
        %sign3A_434 = arith.extui %sign3A_433 : i1 to i32
        %sign3A_435 = arith.subi %sign3A_431, %sign3A_434 : i32
        %sign3A_436 = arith.constant 0 : i32
        %sign3A_437 = arith.cmpi sgt, %jit3A_427, %sign3A_436 : i32
        %sign3A_438 = arith.extui %sign3A_437 : i1 to i32
        %sign3A_439 = arith.constant 0 : i32
        %sign3A_440 = arith.cmpi slt, %jit3A_427, %sign3A_439 : i32
        %sign3A_441 = arith.extui %sign3A_440 : i1 to i32
        %sign3A_442 = arith.subi %sign3A_438, %sign3A_441 : i32
        %ne3A_443 = arith.cmpi ne, %sign3A_435, %sign3A_442 : i32
        %rem3A_444 = arith.remsi %add3A_256, %jit3A_427 : i32
        %ne3A_445 = arith.constant 0 : i32
        %ne3A_446 = arith.cmpi ne, %rem3A_444, %ne3A_445 : i32
        %and3A_447 = arith.andi %ne3A_443, %ne3A_446 : i1
        %sub3A_448 = arith.constant 1 : i32
        %sub3A_449 = arith.subi %div3A_428, %sub3A_448 : i32
        %select_n3A_450 = arith.select %and3A_447, %sub3A_449, %div3A_428 : i32
        %dma_start3A_451 = arith.constant 0 : i32
        %dma_start3A_452 = arith.constant 0 : i32
        %dma_start3A_453 = tpu.memref_slice %arg6[%dma_start3A_451, %dma_start3A_452] : memref<104x64xf32, #tpu.memory_space<vmem>> -> memref<96x64xf32, #tpu.memory_space<vmem>>
        %dma_start3A_454 = arith.constant 0 : i32
        %dma_start3A_455 = tpu.memref_slice %arg5[%select_n3A_450, %dma_start3A_454] : memref<128x200xi32, #tpu.memory_space<vmem>> -> memref<1x96xi32, #tpu.memory_space<vmem>>
        %dma_start3A_456 = tpu.memref_squeeze %dma_start3A_455 : memref<1x96xi32, #tpu.memory_space<vmem>> -> memref<96xi32, #tpu.memory_space<vmem>>
        %dma_start3A_457 = arith.constant 0 : i32
        %dma_start3A_458 = arith.constant 0 : i32
        %dma_start3A_459 = tpu.memref_slice %arg3[%dma_start3A_457, %dma_start3A_458] : memref<1000002x64xf32, #tpu.memory_space<hbm>> -> memref<1000002x64xf32, #tpu.memory_space<hbm>>
        tpu.enqueue_indirect_dma source(%dma_start3A_459 : memref<1000002x64xf32, #tpu.memory_space<hbm>>) target(%dma_start3A_453 : memref<96x64xf32, #tpu.memory_space<vmem>>) offsets(%dma_start3A_456 : memref<96xi32, #tpu.memory_space<vmem>>) semaphore(%arg10 : memref<!tpu.dma_semaphore, #tpu.memory_space<semaphore_mem>>)
      } else {
      }
      %jit3A_262 = arith.constant 2 : i32
      %div3A_263 = arith.divsi %add3A_254, %jit3A_262 : i32
      %sign3A_264 = arith.constant 0 : i32
      %sign3A_265 = arith.cmpi sgt, %add3A_254, %sign3A_264 : i32
      %sign3A_266 = arith.extui %sign3A_265 : i1 to i32
      %sign3A_267 = arith.constant 0 : i32
      %sign3A_268 = arith.cmpi slt, %add3A_254, %sign3A_267 : i32
      %sign3A_269 = arith.extui %sign3A_268 : i1 to i32
      %sign3A_270 = arith.subi %sign3A_266, %sign3A_269 : i32
      %sign3A_271 = arith.constant 0 : i32
      %sign3A_272 = arith.cmpi sgt, %jit3A_262, %sign3A_271 : i32
      %sign3A_273 = arith.extui %sign3A_272 : i1 to i32
      %sign3A_274 = arith.constant 0 : i32
      %sign3A_275 = arith.cmpi slt, %jit3A_262, %sign3A_274 : i32
      %sign3A_276 = arith.extui %sign3A_275 : i1 to i32
      %sign3A_277 = arith.subi %sign3A_273, %sign3A_276 : i32
      %ne3A_278 = arith.cmpi ne, %sign3A_270, %sign3A_277 : i32
      %rem3A_279 = arith.remsi %add3A_254, %jit3A_262 : i32
      %ne3A_280 = arith.constant 0 : i32
      %ne3A_281 = arith.cmpi ne, %rem3A_279, %ne3A_280 : i32
      %and3A_282 = arith.andi %ne3A_278, %ne3A_281 : i1
      %sub3A_283 = arith.constant 1 : i32
      %sub3A_284 = arith.subi %div3A_263, %sub3A_283 : i32
      %select_n3A_285 = arith.select %and3A_282, %sub3A_284, %div3A_263 : i32
      %dma_wait3A_286 = arith.constant 0 : i32
      %dma_wait3A_287 = arith.constant 0 : i32
      %dma_wait3A_288 = tpu.memref_slice %arg8[%dma_wait3A_286, %dma_wait3A_287] : memref<104x64xf32, #tpu.memory_space<vmem>> -> memref<96x64xf32, #tpu.memory_space<vmem>>
      %dma_wait3A_289 = arith.constant 0 : i32
      %dma_wait3A_290 = tpu.memref_slice %arg5[%select_n3A_285, %dma_wait3A_289] : memref<128x200xi32, #tpu.memory_space<vmem>> -> memref<1x96xi32, #tpu.memory_space<vmem>>
      %dma_wait3A_291 = tpu.memref_squeeze %dma_wait3A_290 : memref<1x96xi32, #tpu.memory_space<vmem>> -> memref<96xi32, #tpu.memory_space<vmem>>
      %dma_wait3A_292 = arith.constant 0 : i32
      %dma_wait3A_293 = arith.constant 0 : i32
      %dma_wait3A_294 = tpu.memref_slice %arg3[%dma_wait3A_292, %dma_wait3A_293] : memref<1000002x64xf32, #tpu.memory_space<hbm>> -> memref<1000002x64xf32, #tpu.memory_space<hbm>>
      tpu.wait_indirect_dma semaphore(%arg12 : memref<!tpu.dma_semaphore, #tpu.memory_space<semaphore_mem>>) src(%dma_wait3A_294 : memref<1000002x64xf32, #tpu.memory_space<hbm>>) dst(%dma_wait3A_288 : memref<96x64xf32, #tpu.memory_space<vmem>>)
      %parallel_loop3A_295 = arith.constant 0 : i32
      %parallel_loop3A_296 = arith.constant 96 : i32
      %parallel_loop3A_297 = arith.constant 1 : i32
      scf.for %parallel_loop3A_423 = %parallel_loop3A_295 to %parallel_loop3A_296 step %parallel_loop3A_297  : i32 {
        %parallel_loop3A_424 = arith.index_cast %parallel_loop3A_423 : i32 to index
        %parallel_loop3A_425 = arith.constant 0 : index
        %parallel_loop3A_426 = tpu.vector_load %arg8[%parallel_loop3A_424, %parallel_loop3A_425] {strides = array<i32>} : memref<104x64xf32, #tpu.memory_space<vmem>>, vector<1x16xf32>,
        %parallel_loop3A_427 = vector.shape_cast %parallel_loop3A_426 : vector<1x16xf32> to vector<16xf32>
        %parallel_loop3A_428 = arith.constant 8.000000e+00 : f32
        %parallel_loop3A_429 = vector.broadcast %parallel_loop3A_428 : f32 to vector<16xf32>
        %parallel_loop3A_430 = arith.mulf %parallel_loop3A_427, %parallel_loop3A_429 : vector<16xf32>
        %parallel_loop3A_431 = arith.index_cast %parallel_loop3A_423 : i32 to index
        %parallel_loop3A_432 = arith.constant 0 : index
        %parallel_loop3A_433 = tpu.vector_load %arg8[%parallel_loop3A_431, %parallel_loop3A_432] {strides = array<i32>} : memref<104x64xf32, #tpu.memory_space<vmem>>, vector<1x16xf32>,
        %parallel_loop3A_434 = vector.shape_cast %parallel_loop3A_433 : vector<1x16xf32> to vector<16xf32>
        %parallel_loop3A_435 = vector.shape_cast %parallel_loop3A_430 : vector<16xf32> to vector<1x16xf32>
        tpu.vector_store %arg8[%parallel_loop3A_431, %parallel_loop3A_432], %parallel_loop3A_435 {strides = array<i32>} : memref<104x64xf32, #tpu.memory_space<vmem>>, vector<1x16xf32>,
        %parallel_loop3A_436 = arith.index_cast %parallel_loop3A_423 : i32 to index
        %parallel_loop3A_437 = arith.constant 16 : index
        %parallel_loop3A_438 = tpu.vector_load %arg8[%parallel_loop3A_436, %parallel_loop3A_437] {strides = array<i32>} : memref<104x64xf32, #tpu.memory_space<vmem>>, vector<1x16xf32>,
        %parallel_loop3A_439 = vector.shape_cast %parallel_loop3A_438 : vector<1x16xf32> to vector<16xf32>
        %parallel_loop3A_440 = arith.constant 8.000000e+00 : f32
        %parallel_loop3A_441 = vector.broadcast %parallel_loop3A_440 : f32 to vector<16xf32>
        %parallel_loop3A_442 = arith.mulf %parallel_loop3A_439, %parallel_loop3A_441 : vector<16xf32>
        %parallel_loop3A_443 = arith.index_cast %parallel_loop3A_423 : i32 to index
        %parallel_loop3A_444 = arith.constant 16 : index
        %parallel_loop3A_445 = tpu.vector_load %arg8[%parallel_loop3A_443, %parallel_loop3A_444] {strides = array<i32>} : memref<104x64xf32, #tpu.memory_space<vmem>>, vector<1x16xf32>,
        %parallel_loop3A_446 = vector.shape_cast %parallel_loop3A_445 : vector<1x16xf32> to vector<16xf32>
        %parallel_loop3A_447 = vector.shape_cast %parallel_loop3A_442 : vector<16xf32> to vector<1x16xf32>
        tpu.vector_store %arg8[%parallel_loop3A_443, %parallel_loop3A_444], %parallel_loop3A_447 {strides = array<i32>} : memref<104x64xf32, #tpu.memory_space<vmem>>, vector<1x16xf32>,
        %parallel_loop3A_448 = arith.index_cast %parallel_loop3A_423 : i32 to index
        %parallel_loop3A_449 = arith.constant 32 : index
        %parallel_loop3A_450 = tpu.vector_load %arg8[%parallel_loop3A_448, %parallel_loop3A_449] {strides = array<i32>} : memref<104x64xf32, #tpu.memory_space<vmem>>, vector<1x16xf32>,
        %parallel_loop3A_451 = vector.shape_cast %parallel_loop3A_450 : vector<1x16xf32> to vector<16xf32>
        %parallel_loop3A_452 = arith.constant 8.000000e+00 : f32
        %parallel_loop3A_453 = vector.broadcast %parallel_loop3A_452 : f32 to vector<16xf32>
        %parallel_loop3A_454 = arith.mulf %parallel_loop3A_451, %parallel_loop3A_453 : vector<16xf32>
        %parallel_loop3A_455 = arith.index_cast %parallel_loop3A_423 : i32 to index
        %parallel_loop3A_456 = arith.constant 32 : index
        %parallel_loop3A_457 = tpu.vector_load %arg8[%parallel_loop3A_455, %parallel_loop3A_456] {strides = array<i32>} : memref<104x64xf32, #tpu.memory_space<vmem>>, vector<1x16xf32>,
        %parallel_loop3A_458 = vector.shape_cast %parallel_loop3A_457 : vector<1x16xf32> to vector<16xf32>
        %parallel_loop3A_459 = vector.shape_cast %parallel_loop3A_454 : vector<16xf32> to vector<1x16xf32>
        tpu.vector_store %arg8[%parallel_loop3A_455, %parallel_loop3A_456], %parallel_loop3A_459 {strides = array<i32>} : memref<104x64xf32, #tpu.memory_space<vmem>>, vector<1x16xf32>,
        %parallel_loop3A_460 = arith.index_cast %parallel_loop3A_423 : i32 to index
        %parallel_loop3A_461 = arith.constant 48 : index
        %parallel_loop3A_462 = tpu.vector_load %arg8[%parallel_loop3A_460, %parallel_loop3A_461] {strides = array<i32>} : memref<104x64xf32, #tpu.memory_space<vmem>>, vector<1x16xf32>,
        %parallel_loop3A_463 = vector.shape_cast %parallel_loop3A_462 : vector<1x16xf32> to vector<16xf32>
        %parallel_loop3A_464 = arith.constant 8.000000e+00 : f32
        %parallel_loop3A_465 = vector.broadcast %parallel_loop3A_464 : f32 to vector<16xf32>
        %parallel_loop3A_466 = arith.mulf %parallel_loop3A_463, %parallel_loop3A_465 : vector<16xf32>
        %parallel_loop3A_467 = arith.index_cast %parallel_loop3A_423 : i32 to index
        %parallel_loop3A_468 = arith.constant 48 : index
        %parallel_loop3A_469 = tpu.vector_load %arg8[%parallel_loop3A_467, %parallel_loop3A_468] {strides = array<i32>} : memref<104x64xf32, #tpu.memory_space<vmem>>, vector<1x16xf32>,
        %parallel_loop3A_470 = vector.shape_cast %parallel_loop3A_469 : vector<1x16xf32> to vector<16xf32>
        %parallel_loop3A_471 = vector.shape_cast %parallel_loop3A_466 : vector<16xf32> to vector<1x16xf32>
        tpu.vector_store %arg8[%parallel_loop3A_467, %parallel_loop3A_468], %parallel_loop3A_471 {strides = array<i32>} : memref<104x64xf32, #tpu.memory_space<vmem>>, vector<1x16xf32>,
      } {sc.loop_unroll_factor = 8 : i64, sc.parallel_access}
      %jit3A_298 = arith.constant 2 : i32
      %div3A_299 = arith.divsi %add3A_254, %jit3A_298 : i32
      %sign3A_300 = arith.constant 0 : i32
      %sign3A_301 = arith.cmpi sgt, %add3A_254, %sign3A_300 : i32
      %sign3A_302 = arith.extui %sign3A_301 : i1 to i32
      %sign3A_303 = arith.constant 0 : i32
      %sign3A_304 = arith.cmpi slt, %add3A_254, %sign3A_303 : i32
      %sign3A_305 = arith.extui %sign3A_304 : i1 to i32
      %sign3A_306 = arith.subi %sign3A_302, %sign3A_305 : i32
      %sign3A_307 = arith.constant 0 : i32
      %sign3A_308 = arith.cmpi sgt, %jit3A_298, %sign3A_307 : i32
      %sign3A_309 = arith.extui %sign3A_308 : i1 to i32
      %sign3A_310 = arith.constant 0 : i32
      %sign3A_311 = arith.cmpi slt, %jit3A_298, %sign3A_310 : i32
      %sign3A_312 = arith.extui %sign3A_311 : i1 to i32
      %sign3A_313 = arith.subi %sign3A_309, %sign3A_312 : i32
      %ne3A_314 = arith.cmpi ne, %sign3A_306, %sign3A_313 : i32
      %rem3A_315 = arith.remsi %add3A_254, %jit3A_298 : i32
      %ne3A_316 = arith.constant 0 : i32
      %ne3A_317 = arith.cmpi ne, %rem3A_315, %ne3A_316 : i32
      %and3A_318 = arith.andi %ne3A_314, %ne3A_317 : i1
      %sub3A_319 = arith.constant 1 : i32
      %sub3A_320 = arith.subi %div3A_299, %sub3A_319 : i32
      %select_n3A_321 = arith.select %and3A_318, %sub3A_320, %div3A_299 : i32
      %add3A_322 = arith.addi %mul3A_2, %select_n3A_321 : i32
      %dma_start3A_323 = arith.constant 0 : i32
      %dma_start3A_324 = arith.constant 0 : i32
      %dma_start3A_325 = tpu.memref_slice %arg8[%dma_start3A_323, %dma_start3A_324] : memref<104x64xf32, #tpu.memory_space<vmem>> -> memref<96x64xf32, #tpu.memory_space<vmem>>
      %dma_start3A_326 = arith.constant 0 : i32
      %dma_start3A_327 = arith.constant 0 : i32
      %dma_start3A_328 = tpu.memref_slice %arg4[%add3A_322, %dma_start3A_326, %dma_start3A_327] : memref<4096x200x64xf32, #tpu.memory_space<hbm>> -> memref<1x96x64xf32, #tpu.memory_space<hbm>>
      %dma_start3A_329 = tpu.memref_squeeze %dma_start3A_328 : memref<1x96x64xf32, #tpu.memory_space<hbm>> -> memref<96x64xf32, #tpu.memory_space<hbm>>
      %dma_start3A_330 = arith.constant 0 : i32
      %dma_start3A_331 = arith.constant 0 : i32
      %dma_start3A_332 = tpu.memref_slice %arg4[%add3A_322, %dma_start3A_330, %dma_start3A_331] : memref<4096x200x64xf32, #tpu.memory_space<hbm>> -> memref<1x96x64xf32, #tpu.memory_space<hbm>>
      %dma_start3A_333 = tpu.memref_squeeze %dma_start3A_332 : memref<1x96x64xf32, #tpu.memory_space<hbm>> -> memref<96x64xf32, #tpu.memory_space<hbm>>
      %dma_start3A_334 = arith.constant 0 : i32
      %dma_start3A_335 = arith.constant 0 : i32
      %dma_start3A_336 = tpu.memref_slice %arg8[%dma_start3A_334, %dma_start3A_335] : memref<104x64xf32, #tpu.memory_space<vmem>> -> memref<96x64xf32, #tpu.memory_space<vmem>>
      tpu.enqueue_dma source(%dma_start3A_336 : memref<96x64xf32, #tpu.memory_space<vmem>>) target(%dma_start3A_333 : memref<96x64xf32, #tpu.memory_space<hbm>>) target_semaphore(%arg16 : memref<!tpu.dma_semaphore, #tpu.memory_space<semaphore_mem>>)
      %mul3A_337 = arith.constant 4 : i32
      %mul3A_338 = arith.muli %scan3A_90, %mul3A_337 : i32
      %add3A_339 = arith.constant 3 : i32
      %add3A_340 = arith.addi %mul3A_338, %add3A_339 : i32
      %add3A_341 = arith.constant 2 : i32
      %add3A_342 = arith.addi %add3A_340, %add3A_341 : i32
      %lt3A_343 = arith.constant 256 : i32
      %lt3A_344 = arith.cmpi slt, %add3A_342, %lt3A_343 : i32
      %convert_element_type3A_345 = arith.extui %lt3A_344 : i1 to i32
      %cond3A_346 = arith.constant 0 : i32
      %cond3A_347 = arith.cmpi ne, %convert_element_type3A_345, %cond3A_346 : i32
      scf.if %cond3A_347 {
        %ge3A = arith.constant 4 : i32
        %ge3A_423 = arith.cmpi sge, %add3A_342, %ge3A : i32
        %convert_element_type3A_424 = arith.extui %ge3A_423 : i1 to i32
        %cond3A_425 = arith.constant 0 : i32
        %cond3A_426 = arith.cmpi ne, %convert_element_type3A_424, %cond3A_425 : i32
        scf.if %cond3A_426 {
          %sub3A_460 = arith.constant 4 : i32
          %sub3A_461 = arith.subi %add3A_342, %sub3A_460 : i32
          %jit3A_462 = arith.constant 2 : i32
          %div3A_463 = arith.divsi %sub3A_461, %jit3A_462 : i32
          %sign3A_464 = arith.constant 0 : i32
          %sign3A_465 = arith.cmpi sgt, %sub3A_461, %sign3A_464 : i32
          %sign3A_466 = arith.extui %sign3A_465 : i1 to i32
          %sign3A_467 = arith.constant 0 : i32
          %sign3A_468 = arith.cmpi slt, %sub3A_461, %sign3A_467 : i32
          %sign3A_469 = arith.extui %sign3A_468 : i1 to i32
          %sign3A_470 = arith.subi %sign3A_466, %sign3A_469 : i32
          %sign3A_471 = arith.constant 0 : i32
          %sign3A_472 = arith.cmpi sgt, %jit3A_462, %sign3A_471 : i32
          %sign3A_473 = arith.extui %sign3A_472 : i1 to i32
          %sign3A_474 = arith.constant 0 : i32
          %sign3A_475 = arith.cmpi slt, %jit3A_462, %sign3A_474 : i32
          %sign3A_476 = arith.extui %sign3A_475 : i1 to i32
          %sign3A_477 = arith.subi %sign3A_473, %sign3A_476 : i32
          %ne3A_478 = arith.cmpi ne, %sign3A_470, %sign3A_477 : i32
          %rem3A_479 = arith.remsi %sub3A_461, %jit3A_462 : i32
          %ne3A_480 = arith.constant 0 : i32
          %ne3A_481 = arith.cmpi ne, %rem3A_479, %ne3A_480 : i32
          %and3A_482 = arith.andi %ne3A_478, %ne3A_481 : i1
          %sub3A_483 = arith.constant 1 : i32
          %sub3A_484 = arith.subi %div3A_463, %sub3A_483 : i32
          %select_n3A_485 = arith.select %and3A_482, %sub3A_484, %div3A_463 : i32
          %add3A_486 = arith.addi %mul3A_2, %select_n3A_485 : i32
          %dma_wait3A_487 = arith.constant 0 : i32
          %dma_wait3A_488 = arith.constant 0 : i32
          %dma_wait3A_489 = tpu.memref_slice %arg7[%dma_wait3A_487, %dma_wait3A_488] : memref<104x64xf32, #tpu.memory_space<vmem>> -> memref<104x64xf32, #tpu.memory_space<vmem>>
          %dma_wait3A_490 = arith.constant 96 : i32
          %dma_wait3A_491 = arith.constant 0 : i32
          %dma_wait3A_492 = tpu.memref_slice %arg4[%add3A_486, %dma_wait3A_490, %dma_wait3A_491] : memref<4096x200x64xf32, #tpu.memory_space<hbm>> -> memref<1x104x64xf32, #tpu.memory_space<hbm>>
          %dma_wait3A_493 = tpu.memref_squeeze %dma_wait3A_492 : memref<1x104x64xf32, #tpu.memory_space<hbm>> -> memref<104x64xf32, #tpu.memory_space<hbm>>
          %dma_wait3A_494 = arith.constant 96 : i32
          %dma_wait3A_495 = arith.constant 0 : i32
          %dma_wait3A_496 = tpu.memref_slice %arg4[%add3A_486, %dma_wait3A_494, %dma_wait3A_495] : memref<4096x200x64xf32, #tpu.memory_space<hbm>> -> memref<1x104x64xf32, #tpu.memory_space<hbm>>
          %dma_wait3A_497 = tpu.memref_squeeze %dma_wait3A_496 : memref<1x104x64xf32, #tpu.memory_space<hbm>> -> memref<104x64xf32, #tpu.memory_space<hbm>>
          %dma_wait3A_498 = arith.constant 0 : i32
          %dma_wait3A_499 = arith.constant 0 : i32
          %dma_wait3A_500 = tpu.memref_slice %arg7[%dma_wait3A_498, %dma_wait3A_499] : memref<104x64xf32, #tpu.memory_space<vmem>> -> memref<104x64xf32, #tpu.memory_space<vmem>>
          tpu.wait_dma2 semaphore(%arg15 : memref<!tpu.dma_semaphore, #tpu.memory_space<semaphore_mem>>) src(%dma_wait3A_500 : memref<104x64xf32, #tpu.memory_space<vmem>>) dst(%dma_wait3A_497 : memref<104x64xf32, #tpu.memory_space<hbm>>)
        } else {
        }
        %jit3A_427 = arith.constant 2 : i32
        %div3A_428 = arith.divsi %add3A_342, %jit3A_427 : i32
        %sign3A_429 = arith.constant 0 : i32
        %sign3A_430 = arith.cmpi sgt, %add3A_342, %sign3A_429 : i32
        %sign3A_431 = arith.extui %sign3A_430 : i1 to i32
        %sign3A_432 = arith.constant 0 : i32
        %sign3A_433 = arith.cmpi slt, %add3A_342, %sign3A_432 : i32
        %sign3A_434 = arith.extui %sign3A_433 : i1 to i32
        %sign3A_435 = arith.subi %sign3A_431, %sign3A_434 : i32
        %sign3A_436 = arith.constant 0 : i32
        %sign3A_437 = arith.cmpi sgt, %jit3A_427, %sign3A_436 : i32
        %sign3A_438 = arith.extui %sign3A_437 : i1 to i32
        %sign3A_439 = arith.constant 0 : i32
        %sign3A_440 = arith.cmpi slt, %jit3A_427, %sign3A_439 : i32
        %sign3A_441 = arith.extui %sign3A_440 : i1 to i32
        %sign3A_442 = arith.subi %sign3A_438, %sign3A_441 : i32
        %ne3A_443 = arith.cmpi ne, %sign3A_435, %sign3A_442 : i32
        %rem3A_444 = arith.remsi %add3A_342, %jit3A_427 : i32
        %ne3A_445 = arith.constant 0 : i32
        %ne3A_446 = arith.cmpi ne, %rem3A_444, %ne3A_445 : i32
        %and3A_447 = arith.andi %ne3A_443, %ne3A_446 : i1
        %sub3A_448 = arith.constant 1 : i32
        %sub3A_449 = arith.subi %div3A_428, %sub3A_448 : i32
        %select_n3A_450 = arith.select %and3A_447, %sub3A_449, %div3A_428 : i32
        %dma_start3A_451 = arith.constant 0 : i32
        %dma_start3A_452 = arith.constant 0 : i32
        %dma_start3A_453 = tpu.memref_slice %arg7[%dma_start3A_451, %dma_start3A_452] : memref<104x64xf32, #tpu.memory_space<vmem>> -> memref<104x64xf32, #tpu.memory_space<vmem>>
        %dma_start3A_454 = arith.constant 96 : i32
        %dma_start3A_455 = tpu.memref_slice %arg5[%select_n3A_450, %dma_start3A_454] : memref<128x200xi32, #tpu.memory_space<vmem>> -> memref<1x104xi32, #tpu.memory_space<vmem>>
        %dma_start3A_456 = tpu.memref_squeeze %dma_start3A_455 : memref<1x104xi32, #tpu.memory_space<vmem>> -> memref<104xi32, #tpu.memory_space<vmem>>
        %dma_start3A_457 = arith.constant 0 : i32
        %dma_start3A_458 = arith.constant 0 : i32
        %dma_start3A_459 = tpu.memref_slice %arg3[%dma_start3A_457, %dma_start3A_458] : memref<1000002x64xf32, #tpu.memory_space<hbm>> -> memref<1000002x64xf32, #tpu.memory_space<hbm>>
        tpu.enqueue_indirect_dma source(%dma_start3A_459 : memref<1000002x64xf32, #tpu.memory_space<hbm>>) target(%dma_start3A_453 : memref<104x64xf32, #tpu.memory_space<vmem>>) offsets(%dma_start3A_456 : memref<104xi32, #tpu.memory_space<vmem>>) semaphore(%arg11 : memref<!tpu.dma_semaphore, #tpu.memory_space<semaphore_mem>>)
      } else {
      }
      %jit3A_348 = arith.constant 2 : i32
      %div3A_349 = arith.divsi %add3A_340, %jit3A_348 : i32
      %sign3A_350 = arith.constant 0 : i32
      %sign3A_351 = arith.cmpi sgt, %add3A_340, %sign3A_350 : i32
      %sign3A_352 = arith.extui %sign3A_351 : i1 to i32
      %sign3A_353 = arith.constant 0 : i32
      %sign3A_354 = arith.cmpi slt, %add3A_340, %sign3A_353 : i32
      %sign3A_355 = arith.extui %sign3A_354 : i1 to i32
      %sign3A_356 = arith.subi %sign3A_352, %sign3A_355 : i32
      %sign3A_357 = arith.constant 0 : i32
      %sign3A_358 = arith.cmpi sgt, %jit3A_348, %sign3A_357 : i32
      %sign3A_359 = arith.extui %sign3A_358 : i1 to i32
      %sign3A_360 = arith.constant 0 : i32
      %sign3A_361 = arith.cmpi slt, %jit3A_348, %sign3A_360 : i32
      %sign3A_362 = arith.extui %sign3A_361 : i1 to i32
      %sign3A_363 = arith.subi %sign3A_359, %sign3A_362 : i32
      %ne3A_364 = arith.cmpi ne, %sign3A_356, %sign3A_363 : i32
      %rem3A_365 = arith.remsi %add3A_340, %jit3A_348 : i32
      %ne3A_366 = arith.constant 0 : i32
      %ne3A_367 = arith.cmpi ne, %rem3A_365, %ne3A_366 : i32
      %and3A_368 = arith.andi %ne3A_364, %ne3A_367 : i1
      %sub3A_369 = arith.constant 1 : i32
      %sub3A_370 = arith.subi %div3A_349, %sub3A_369 : i32
      %select_n3A_371 = arith.select %and3A_368, %sub3A_370, %div3A_349 : i32
      %dma_wait3A_372 = arith.constant 0 : i32
      %dma_wait3A_373 = arith.constant 0 : i32
      %dma_wait3A_374 = tpu.memref_slice %arg9[%dma_wait3A_372, %dma_wait3A_373] : memref<104x64xf32, #tpu.memory_space<vmem>> -> memref<104x64xf32, #tpu.memory_space<vmem>>
      %dma_wait3A_375 = arith.constant 96 : i32
      %dma_wait3A_376 = tpu.memref_slice %arg5[%select_n3A_371, %dma_wait3A_375] : memref<128x200xi32, #tpu.memory_space<vmem>> -> memref<1x104xi32, #tpu.memory_space<vmem>>
      %dma_wait3A_377 = tpu.memref_squeeze %dma_wait3A_376 : memref<1x104xi32, #tpu.memory_space<vmem>> -> memref<104xi32, #tpu.memory_space<vmem>>
      %dma_wait3A_378 = arith.constant 0 : i32
      %dma_wait3A_379 = arith.constant 0 : i32
      %dma_wait3A_380 = tpu.memref_slice %arg3[%dma_wait3A_378, %dma_wait3A_379] : memref<1000002x64xf32, #tpu.memory_space<hbm>> -> memref<1000002x64xf32, #tpu.memory_space<hbm>>
      tpu.wait_indirect_dma semaphore(%arg13 : memref<!tpu.dma_semaphore, #tpu.memory_space<semaphore_mem>>) src(%dma_wait3A_380 : memref<1000002x64xf32, #tpu.memory_space<hbm>>) dst(%dma_wait3A_374 : memref<104x64xf32, #tpu.memory_space<vmem>>)
      %parallel_loop3A_381 = arith.constant 0 : i32
      %parallel_loop3A_382 = arith.constant 104 : i32
      %parallel_loop3A_383 = arith.constant 1 : i32
      scf.for %parallel_loop3A_423 = %parallel_loop3A_381 to %parallel_loop3A_382 step %parallel_loop3A_383  : i32 {
        %parallel_loop3A_424 = arith.index_cast %parallel_loop3A_423 : i32 to index
        %parallel_loop3A_425 = arith.constant 0 : index
        %parallel_loop3A_426 = tpu.vector_load %arg9[%parallel_loop3A_424, %parallel_loop3A_425] {strides = array<i32>} : memref<104x64xf32, #tpu.memory_space<vmem>>, vector<1x16xf32>,
        %parallel_loop3A_427 = vector.shape_cast %parallel_loop3A_426 : vector<1x16xf32> to vector<16xf32>
        %parallel_loop3A_428 = arith.constant 8.000000e+00 : f32
        %parallel_loop3A_429 = vector.broadcast %parallel_loop3A_428 : f32 to vector<16xf32>
        %parallel_loop3A_430 = arith.mulf %parallel_loop3A_427, %parallel_loop3A_429 : vector<16xf32>
        %parallel_loop3A_431 = arith.index_cast %parallel_loop3A_423 : i32 to index
        %parallel_loop3A_432 = arith.constant 0 : index
        %parallel_loop3A_433 = tpu.vector_load %arg9[%parallel_loop3A_431, %parallel_loop3A_432] {strides = array<i32>} : memref<104x64xf32, #tpu.memory_space<vmem>>, vector<1x16xf32>,
        %parallel_loop3A_434 = vector.shape_cast %parallel_loop3A_433 : vector<1x16xf32> to vector<16xf32>
        %parallel_loop3A_435 = vector.shape_cast %parallel_loop3A_430 : vector<16xf32> to vector<1x16xf32>
        tpu.vector_store %arg9[%parallel_loop3A_431, %parallel_loop3A_432], %parallel_loop3A_435 {strides = array<i32>} : memref<104x64xf32, #tpu.memory_space<vmem>>, vector<1x16xf32>,
        %parallel_loop3A_436 = arith.index_cast %parallel_loop3A_423 : i32 to index
        %parallel_loop3A_437 = arith.constant 16 : index
        %parallel_loop3A_438 = tpu.vector_load %arg9[%parallel_loop3A_436, %parallel_loop3A_437] {strides = array<i32>} : memref<104x64xf32, #tpu.memory_space<vmem>>, vector<1x16xf32>,
        %parallel_loop3A_439 = vector.shape_cast %parallel_loop3A_438 : vector<1x16xf32> to vector<16xf32>
        %parallel_loop3A_440 = arith.constant 8.000000e+00 : f32
        %parallel_loop3A_441 = vector.broadcast %parallel_loop3A_440 : f32 to vector<16xf32>
        %parallel_loop3A_442 = arith.mulf %parallel_loop3A_439, %parallel_loop3A_441 : vector<16xf32>
        %parallel_loop3A_443 = arith.index_cast %parallel_loop3A_423 : i32 to index
        %parallel_loop3A_444 = arith.constant 16 : index
        %parallel_loop3A_445 = tpu.vector_load %arg9[%parallel_loop3A_443, %parallel_loop3A_444] {strides = array<i32>} : memref<104x64xf32, #tpu.memory_space<vmem>>, vector<1x16xf32>,
        %parallel_loop3A_446 = vector.shape_cast %parallel_loop3A_445 : vector<1x16xf32> to vector<16xf32>
        %parallel_loop3A_447 = vector.shape_cast %parallel_loop3A_442 : vector<16xf32> to vector<1x16xf32>
        tpu.vector_store %arg9[%parallel_loop3A_443, %parallel_loop3A_444], %parallel_loop3A_447 {strides = array<i32>} : memref<104x64xf32, #tpu.memory_space<vmem>>, vector<1x16xf32>,
        %parallel_loop3A_448 = arith.index_cast %parallel_loop3A_423 : i32 to index
        %parallel_loop3A_449 = arith.constant 32 : index
        %parallel_loop3A_450 = tpu.vector_load %arg9[%parallel_loop3A_448, %parallel_loop3A_449] {strides = array<i32>} : memref<104x64xf32, #tpu.memory_space<vmem>>, vector<1x16xf32>,
        %parallel_loop3A_451 = vector.shape_cast %parallel_loop3A_450 : vector<1x16xf32> to vector<16xf32>
        %parallel_loop3A_452 = arith.constant 8.000000e+00 : f32
        %parallel_loop3A_453 = vector.broadcast %parallel_loop3A_452 : f32 to vector<16xf32>
        %parallel_loop3A_454 = arith.mulf %parallel_loop3A_451, %parallel_loop3A_453 : vector<16xf32>
        %parallel_loop3A_455 = arith.index_cast %parallel_loop3A_423 : i32 to index
        %parallel_loop3A_456 = arith.constant 32 : index
        %parallel_loop3A_457 = tpu.vector_load %arg9[%parallel_loop3A_455, %parallel_loop3A_456] {strides = array<i32>} : memref<104x64xf32, #tpu.memory_space<vmem>>, vector<1x16xf32>,
        %parallel_loop3A_458 = vector.shape_cast %parallel_loop3A_457 : vector<1x16xf32> to vector<16xf32>
        %parallel_loop3A_459 = vector.shape_cast %parallel_loop3A_454 : vector<16xf32> to vector<1x16xf32>
        tpu.vector_store %arg9[%parallel_loop3A_455, %parallel_loop3A_456], %parallel_loop3A_459 {strides = array<i32>} : memref<104x64xf32, #tpu.memory_space<vmem>>, vector<1x16xf32>,
        %parallel_loop3A_460 = arith.index_cast %parallel_loop3A_423 : i32 to index
        %parallel_loop3A_461 = arith.constant 48 : index
        %parallel_loop3A_462 = tpu.vector_load %arg9[%parallel_loop3A_460, %parallel_loop3A_461] {strides = array<i32>} : memref<104x64xf32, #tpu.memory_space<vmem>>, vector<1x16xf32>,
        %parallel_loop3A_463 = vector.shape_cast %parallel_loop3A_462 : vector<1x16xf32> to vector<16xf32>
        %parallel_loop3A_464 = arith.constant 8.000000e+00 : f32
        %parallel_loop3A_465 = vector.broadcast %parallel_loop3A_464 : f32 to vector<16xf32>
        %parallel_loop3A_466 = arith.mulf %parallel_loop3A_463, %parallel_loop3A_465 : vector<16xf32>
        %parallel_loop3A_467 = arith.index_cast %parallel_loop3A_423 : i32 to index
        %parallel_loop3A_468 = arith.constant 48 : index
        %parallel_loop3A_469 = tpu.vector_load %arg9[%parallel_loop3A_467, %parallel_loop3A_468] {strides = array<i32>} : memref<104x64xf32, #tpu.memory_space<vmem>>, vector<1x16xf32>,
        %parallel_loop3A_470 = vector.shape_cast %parallel_loop3A_469 : vector<1x16xf32> to vector<16xf32>
        %parallel_loop3A_471 = vector.shape_cast %parallel_loop3A_466 : vector<16xf32> to vector<1x16xf32>
        tpu.vector_store %arg9[%parallel_loop3A_467, %parallel_loop3A_468], %parallel_loop3A_471 {strides = array<i32>} : memref<104x64xf32, #tpu.memory_space<vmem>>, vector<1x16xf32>,
      } {sc.loop_unroll_factor = 8 : i64, sc.parallel_access}
      %jit3A_384 = arith.constant 2 : i32
      %div3A_385 = arith.divsi %add3A_340, %jit3A_384 : i32
      %sign3A_386 = arith.constant 0 : i32
      %sign3A_387 = arith.cmpi sgt, %add3A_340, %sign3A_386 : i32
      %sign3A_388 = arith.extui %sign3A_387 : i1 to i32
      %sign3A_389 = arith.constant 0 : i32
      %sign3A_390 = arith.cmpi slt, %add3A_340, %sign3A_389 : i32
      %sign3A_391 = arith.extui %sign3A_390 : i1 to i32
      %sign3A_392 = arith.subi %sign3A_388, %sign3A_391 : i32
      %sign3A_393 = arith.constant 0 : i32
      %sign3A_394 = arith.cmpi sgt, %jit3A_384, %sign3A_393 : i32
      %sign3A_395 = arith.extui %sign3A_394 : i1 to i32
      %sign3A_396 = arith.constant 0 : i32
      %sign3A_397 = arith.cmpi slt, %jit3A_384, %sign3A_396 : i32
      %sign3A_398 = arith.extui %sign3A_397 : i1 to i32
      %sign3A_399 = arith.subi %sign3A_395, %sign3A_398 : i32
      %ne3A_400 = arith.cmpi ne, %sign3A_392, %sign3A_399 : i32
      %rem3A_401 = arith.remsi %add3A_340, %jit3A_384 : i32
      %ne3A_402 = arith.constant 0 : i32
      %ne3A_403 = arith.cmpi ne, %rem3A_401, %ne3A_402 : i32
      %and3A_404 = arith.andi %ne3A_400, %ne3A_403 : i1
      %sub3A_405 = arith.constant 1 : i32
      %sub3A_406 = arith.subi %div3A_385, %sub3A_405 : i32
      %select_n3A_407 = arith.select %and3A_404, %sub3A_406, %div3A_385 : i32
      %add3A_408 = arith.addi %mul3A_2, %select_n3A_407 : i32
      %dma_start3A_409 = arith.constant 0 : i32
      %dma_start3A_410 = arith.constant 0 : i32
      %dma_start3A_411 = tpu.memref_slice %arg9[%dma_start3A_409, %dma_start3A_410] : memref<104x64xf32, #tpu.memory_space<vmem>> -> memref<104x64xf32, #tpu.memory_space<vmem>>
      %dma_start3A_412 = arith.constant 96 : i32
      %dma_start3A_413 = arith.constant 0 : i32
      %dma_start3A_414 = tpu.memref_slice %arg4[%add3A_408, %dma_start3A_412, %dma_start3A_413] : memref<4096x200x64xf32, #tpu.memory_space<hbm>> -> memref<1x104x64xf32, #tpu.memory_space<hbm>>
      %dma_start3A_415 = tpu.memref_squeeze %dma_start3A_414 : memref<1x104x64xf32, #tpu.memory_space<hbm>> -> memref<104x64xf32, #tpu.memory_space<hbm>>
      %dma_start3A_416 = arith.constant 96 : i32
      %dma_start3A_417 = arith.constant 0 : i32
      %dma_start3A_418 = tpu.memref_slice %arg4[%add3A_408, %dma_start3A_416, %dma_start3A_417] : memref<4096x200x64xf32, #tpu.memory_space<hbm>> -> memref<1x104x64xf32, #tpu.memory_space<hbm>>
      %dma_start3A_419 = tpu.memref_squeeze %dma_start3A_418 : memref<1x104x64xf32, #tpu.memory_space<hbm>> -> memref<104x64xf32, #tpu.memory_space<hbm>>
      %dma_start3A_420 = arith.constant 0 : i32
      %dma_start3A_421 = arith.constant 0 : i32
      %dma_start3A_422 = tpu.memref_slice %arg9[%dma_start3A_420, %dma_start3A_421] : memref<104x64xf32, #tpu.memory_space<vmem>> -> memref<104x64xf32, #tpu.memory_space<vmem>>
      tpu.enqueue_dma source(%dma_start3A_422 : memref<104x64xf32, #tpu.memory_space<vmem>>) target(%dma_start3A_419 : memref<104x64xf32, #tpu.memory_space<hbm>>) target_semaphore(%arg17 : memref<!tpu.dma_semaphore, #tpu.memory_space<semaphore_mem>>)
    }
    %scan3A_26 = arith.constant 64 : i32
    %add3A_27 = arith.constant 126 : i32
    %add3A_28 = arith.addi %mul3A_2, %add3A_27 : i32
    %dma_wait3A = arith.constant 0 : i32
    %dma_wait3A_29 = arith.constant 0 : i32
    %dma_wait3A_30 = tpu.memref_slice %arg6[%dma_wait3A, %dma_wait3A_29] : memref<104x64xf32, #tpu.memory_space<vmem>> -> memref<96x64xf32, #tpu.memory_space<vmem>>
    %dma_wait3A_31 = arith.constant 0 : i32
    %dma_wait3A_32 = arith.constant 0 : i32
    %dma_wait3A_33 = tpu.memref_slice %arg4[%add3A_28, %dma_wait3A_31, %dma_wait3A_32] : memref<4096x200x64xf32, #tpu.memory_space<hbm>> -> memref<1x96x64xf32, #tpu.memory_space<hbm>>
    %dma_wait3A_34 = tpu.memref_squeeze %dma_wait3A_33 : memref<1x96x64xf32, #tpu.memory_space<hbm>> -> memref<96x64xf32, #tpu.memory_space<hbm>>
    %dma_wait3A_35 = arith.constant 0 : i32
    %dma_wait3A_36 = arith.constant 0 : i32
    %dma_wait3A_37 = tpu.memref_slice %arg4[%add3A_28, %dma_wait3A_35, %dma_wait3A_36] : memref<4096x200x64xf32, #tpu.memory_space<hbm>> -> memref<1x96x64xf32, #tpu.memory_space<hbm>>
    %dma_wait3A_38 = tpu.memref_squeeze %dma_wait3A_37 : memref<1x96x64xf32, #tpu.memory_space<hbm>> -> memref<96x64xf32, #tpu.memory_space<hbm>>
    %dma_wait3A_39 = arith.constant 0 : i32
    %dma_wait3A_40 = arith.constant 0 : i32
    %dma_wait3A_41 = tpu.memref_slice %arg6[%dma_wait3A_39, %dma_wait3A_40] : memref<104x64xf32, #tpu.memory_space<vmem>> -> memref<96x64xf32, #tpu.memory_space<vmem>>
    tpu.wait_dma2 semaphore(%arg14 : memref<!tpu.dma_semaphore, #tpu.memory_space<semaphore_mem>>) src(%dma_wait3A_41 : memref<96x64xf32, #tpu.memory_space<vmem>>) dst(%dma_wait3A_38 : memref<96x64xf32, #tpu.memory_space<hbm>>)
    %add3A_42 = arith.constant 126 : i32
    %add3A_43 = arith.addi %mul3A_2, %add3A_42 : i32
    %dma_wait3A_44 = arith.constant 0 : i32
    %dma_wait3A_45 = arith.constant 0 : i32
    %dma_wait3A_46 = tpu.memref_slice %arg7[%dma_wait3A_44, %dma_wait3A_45] : memref<104x64xf32, #tpu.memory_space<vmem>> -> memref<104x64xf32, #tpu.memory_space<vmem>>
    %dma_wait3A_47 = arith.constant 96 : i32
    %dma_wait3A_48 = arith.constant 0 : i32
    %dma_wait3A_49 = tpu.memref_slice %arg4[%add3A_43, %dma_wait3A_47, %dma_wait3A_48] : memref<4096x200x64xf32, #tpu.memory_space<hbm>> -> memref<1x104x64xf32, #tpu.memory_space<hbm>>
    %dma_wait3A_50 = tpu.memref_squeeze %dma_wait3A_49 : memref<1x104x64xf32, #tpu.memory_space<hbm>> -> memref<104x64xf32, #tpu.memory_space<hbm>>
    %dma_wait3A_51 = arith.constant 96 : i32
    %dma_wait3A_52 = arith.constant 0 : i32
    %dma_wait3A_53 = tpu.memref_slice %arg4[%add3A_43, %dma_wait3A_51, %dma_wait3A_52] : memref<4096x200x64xf32, #tpu.memory_space<hbm>> -> memref<1x104x64xf32, #tpu.memory_space<hbm>>
    %dma_wait3A_54 = tpu.memref_squeeze %dma_wait3A_53 : memref<1x104x64xf32, #tpu.memory_space<hbm>> -> memref<104x64xf32, #tpu.memory_space<hbm>>
    %dma_wait3A_55 = arith.constant 0 : i32
    %dma_wait3A_56 = arith.constant 0 : i32
    %dma_wait3A_57 = tpu.memref_slice %arg7[%dma_wait3A_55, %dma_wait3A_56] : memref<104x64xf32, #tpu.memory_space<vmem>> -> memref<104x64xf32, #tpu.memory_space<vmem>>
    tpu.wait_dma2 semaphore(%arg15 : memref<!tpu.dma_semaphore, #tpu.memory_space<semaphore_mem>>) src(%dma_wait3A_57 : memref<104x64xf32, #tpu.memory_space<vmem>>) dst(%dma_wait3A_54 : memref<104x64xf32, #tpu.memory_space<hbm>>)
    %add3A_58 = arith.constant 127 : i32
    %add3A_59 = arith.addi %mul3A_2, %add3A_58 : i32
    %dma_wait3A_60 = arith.constant 0 : i32
    %dma_wait3A_61 = arith.constant 0 : i32
    %dma_wait3A_62 = tpu.memref_slice %arg8[%dma_wait3A_60, %dma_wait3A_61] : memref<104x64xf32, #tpu.memory_space<vmem>> -> memref<96x64xf32, #tpu.memory_space<vmem>>
    %dma_wait3A_63 = arith.constant 0 : i32
    %dma_wait3A_64 = arith.constant 0 : i32
    %dma_wait3A_65 = tpu.memref_slice %arg4[%add3A_59, %dma_wait3A_63, %dma_wait3A_64] : memref<4096x200x64xf32, #tpu.memory_space<hbm>> -> memref<1x96x64xf32, #tpu.memory_space<hbm>>
    %dma_wait3A_66 = tpu.memref_squeeze %dma_wait3A_65 : memref<1x96x64xf32, #tpu.memory_space<hbm>> -> memref<96x64xf32, #tpu.memory_space<hbm>>
    %dma_wait3A_67 = arith.constant 0 : i32
    %dma_wait3A_68 = arith.constant 0 : i32
    %dma_wait3A_69 = tpu.memref_slice %arg4[%add3A_59, %dma_wait3A_67, %dma_wait3A_68] : memref<4096x200x64xf32, #tpu.memory_space<hbm>> -> memref<1x96x64xf32, #tpu.memory_space<hbm>>
    %dma_wait3A_70 = tpu.memref_squeeze %dma_wait3A_69 : memref<1x96x64xf32, #tpu.memory_space<hbm>> -> memref<96x64xf32, #tpu.memory_space<hbm>>
    %dma_wait3A_71 = arith.constant 0 : i32
    %dma_wait3A_72 = arith.constant 0 : i32
    %dma_wait3A_73 = tpu.memref_slice %arg8[%dma_wait3A_71, %dma_wait3A_72] : memref<104x64xf32, #tpu.memory_space<vmem>> -> memref<96x64xf32, #tpu.memory_space<vmem>>
    tpu.wait_dma2 semaphore(%arg16 : memref<!tpu.dma_semaphore, #tpu.memory_space<semaphore_mem>>) src(%dma_wait3A_73 : memref<96x64xf32, #tpu.memory_space<vmem>>) dst(%dma_wait3A_70 : memref<96x64xf32, #tpu.memory_space<hbm>>)
    %add3A_74 = arith.constant 127 : i32
    %add3A_75 = arith.addi %mul3A_2, %add3A_74 : i32
    %dma_wait3A_76 = arith.constant 0 : i32
    %dma_wait3A_77 = arith.constant 0 : i32
    %dma_wait3A_78 = tpu.memref_slice %arg9[%dma_wait3A_76, %dma_wait3A_77] : memref<104x64xf32, #tpu.memory_space<vmem>> -> memref<104x64xf32, #tpu.memory_space<vmem>>
    %dma_wait3A_79 = arith.constant 96 : i32
    %dma_wait3A_80 = arith.constant 0 : i32
    %dma_wait3A_81 = tpu.memref_slice %arg4[%add3A_75, %dma_wait3A_79, %dma_wait3A_80] : memref<4096x200x64xf32, #tpu.memory_space<hbm>> -> memref<1x104x64xf32, #tpu.memory_space<hbm>>
    %dma_wait3A_82 = tpu.memref_squeeze %dma_wait3A_81 : memref<1x104x64xf32, #tpu.memory_space<hbm>> -> memref<104x64xf32, #tpu.memory_space<hbm>>
    %dma_wait3A_83 = arith.constant 96 : i32
    %dma_wait3A_84 = arith.constant 0 : i32
    %dma_wait3A_85 = tpu.memref_slice %arg4[%add3A_75, %dma_wait3A_83, %dma_wait3A_84] : memref<4096x200x64xf32, #tpu.memory_space<hbm>> -> memref<1x104x64xf32, #tpu.memory_space<hbm>>
    %dma_wait3A_86 = tpu.memref_squeeze %dma_wait3A_85 : memref<1x104x64xf32, #tpu.memory_space<hbm>> -> memref<104x64xf32, #tpu.memory_space<hbm>>
    %dma_wait3A_87 = arith.constant 0 : i32
    %dma_wait3A_88 = arith.constant 0 : i32
    %dma_wait3A_89 = tpu.memref_slice %arg9[%dma_wait3A_87, %dma_wait3A_88] : memref<104x64xf32, #tpu.memory_space<vmem>> -> memref<104x64xf32, #tpu.memory_space<vmem>>
    tpu.wait_dma2 semaphore(%arg17 : memref<!tpu.dma_semaphore, #tpu.memory_space<semaphore_mem>>) src(%dma_wait3A_89 : memref<104x64xf32, #tpu.memory_space<vmem>>) dst(%dma_wait3A_86 : memref<104x64xf32, #tpu.memory_space<hbm>>)
    return
  }
}

</mosaic_0001>

<sc_bundles>
// kernel: kernel.3.cloned.1.call-start
scs
__scs_entry_jumppad:
0x0: {  	(pc) =	sbr.rel $0x88, $3  }
0x1: {  	(tag) =	ssettag $0x0;
	lr =	simm.s32 $0x1  }
0x2: {  	[smem:$0x3F9F] =	sst lr;
	_ =	strace $0xD0000000  }
0x3: {  	_ = 	snop  }
0x4: {  	_ = 	snop  }
0x5: {  	_ = 	snop  }
0x6: {  	_ = 	snop  }
0x7: {  	_ = 	snop  }
__scs_overlays_trampoline_lowered:
0x8: {  	[smem:$0x3FAE] =	sst s0  }
0x9: {  	[smem:$0x3FAF] =	sst s1  }
0xa: {  	[smem:$0x3FB0] =	sst s2  }
0xb: {  	[smem:$0x3FB1] =	sst s3  }
0xc: {  	[smem:$0x3FB2] =	sst s4  }
0xd: {  	[smem:$0x3FB3] =	sst s5  }
0xe: {  	[smem:$0x3FB4] =	sst s6  }
0xf: {  	[smem:$0x3FB5] =	sst s7  }
0x10: {  	[smem:$0x3FB6] =	sst s8  }
0x11: {  	[smem:$0x3FB7] =	sst s9;
	s0 =	simm.s32 @!p0 $0x0  }
0x12: {  	s1 =	sld [smem:$0x3F9D];
	s0 =	simm.s32 @p0 $0x1  }
0x13: {  	[smem:$0x3FB8] =	sst s0;
	s0 =	simm.s32 @!p1 $0x0  }
0x14: {  	s2 =	sld [smem:$0x3F9C];
	s0 =	simm.s32 @p1 $0x1  }
0x15: {  	[smem:$0x3FB9] =	sst s0;
	s0 =	simm.s32 @!p2 $0x0  }
0x16: {  	s3 =	sld [smem:$0x3FDB];
	s0 =	simm.s32 @p2 $0x1  }
0x17: {  	s4 =	simm.s32 $0x1BF5;
	[smem:$0x3FBB] =	sst s0  }
0x18: {  	s0 =	sld [smem:$0x3F9E];
	_ =	swait.ge [sflag:s4], $0x0  }
0x19: {  	s7 =	sld [smem:$0x3F9F]  }
0x1a: {  	s8 =	sadd.s32 $0xFFFFE003, lr  }
0x1b: {  	s9 =	sadd.s32 $0xFFFFFEF7, lr;
	s5 =	simm.s32 $0xFFFFFFFF;
	p2 =	slt.u32 s8, $0xFFFFF086  }
0x1c: {  	p1 =	slt.u32 s9, $0xF7A;
	s5 =	simm.s32 @!p2 $0x0  }
0x1d: {  	s5 =	simm.s32 @p1 $0x1;
	p0 =	seq.s32 s7, s2  }
0x1e: {  	s7 =	smul.u32 @!p0 $0xF7A, s2;
	p2 =	seq.s32 @!p0 s5, $0x0  }
0x1f: {  	s9 =	smul.u32 $0xF7A, s1;
	s8 =	simm.s32 @!p0 $0x1BF5;
	p2 =	por !p2, p0  }
0x20: {  	[sflag:s8] =	ssyncset.s32 @!p0 $0xFFFFF086;
	s6 =	sadd.s32 @!p0 s3, s7;
	s7 =	simm.s32 @!p0 $0x108  }
0x21: {  	s3 =	sadd.s32 s3, s9;
	s6 =	sadd.s32 @!p0 $0x88, s6;
	s7 =	simm.s32 @p2 $0x1082  }
0x22: {  	[simem:s7], [sflag:s8] =	dma.local @!p0 [hbm:s6], $0xF7A  }
0x23: {  	s9 =	sor.u32 $0xD0000000, s2;
	s6 =	simm.s32 $0x108;
	_ =	swait.ge @!p0 [sflag:s8], $0x0  }
0x24: {  	s3 =	sadd.s32 $0x88, s3;
	s6 =	simm.s32 @!p1 $0x1082;
	[sflag:s4] =	ssyncset.s32 $0xFFFFF086  }
0x25: {  	[simem:s6], [sflag:s4] =	dma.local [hbm:s3], $0xF7A  }
0x26: {  	[smem:$0x3F9F] =	sst s1;
	(tag) =	ssettag s2;
	_ =	strace s9  }
0x27: {  	s1 =	sld [smem:$0x3FAF]  }
0x28: {  	s2 =	sld [smem:$0x3FB0]  }
0x29: {  	s4 =	sld [smem:$0x3FB2]  }
0x2a: {  	p0 =	seq.s32 s5, $0x0;
	s5 =	sld [smem:$0x3FB3]  }
0x2b: {  	s6 =	sld [smem:$0x3FB4]  }
0x2c: {  	s7 =	sld [smem:$0x3FB5]  }
0x2d: {  	s3 =	simm.s32 $0x108;
	s8 =	sld [smem:$0x3FB6]  }
0x2e: {  	s3 =	simm.s32 @!p0 $0x1082;
	s9 =	sld [smem:$0x3FB7]  }
0x2f: {  	lr =	sadd.s32 s0, s3;
	s0 =	sld [smem:$0x3FAE]  }
0x30: {  	s3 =	sld [smem:$0x3FB1]  }
0x31: {  	[smem:$0x3FBA] =	sst s10  }
0x32: {  	s10 =	sld [smem:$0x3FB8];
	_ =	sdelay $0x3  }
0x33: {  	p0 =	seq.s32 s10, $0x1;
	s10 =	sld [smem:$0x3FBA];
	_ =	sdelay $0x3  }
0x34: {  	[smem:$0x3FBA] =	sst s10  }
0x35: {  	s10 =	sld [smem:$0x3FB9];
	_ =	sdelay $0x3  }
0x36: {  	p1 =	seq.s32 s10, $0x1;
	s10 =	sld [smem:$0x3FBA];
	_ =	sdelay $0x3  }
0x37: {  	[smem:$0x3FBA] =	sst s10  }
0x38: {  	s10 =	sld [smem:$0x3FBB]  }
0x39: {  	_ = 	snop;
	(pc) =	sbr.ind lr, $3  }
0x3a: {  	_ = 	snop  }
0x3b: {  	_ = 	snop  }
0x3c: {  	p2 =	seq.s32 s10, $0x1;
	s10 =	sld [smem:$0x3FBA]  }
0x3d: {  	_ =	shalt  }
0x3e: {  	_ =	shalt  }
0x3f: {  	_ =	shalt  }
0x40: {  	_ =	shalt  }
0x41: {  	_ =	shalt  }
0x42: {  	_ =	shalt  }
0x43: {  	_ =	shalt  }
0x44: {  	_ =	shalt  }
0x45: {  	_ =	shalt  }
0x46: {  	_ =	shalt  }
0x47: {  	_ =	shalt  }
0x48: {  	_ =	shalt  }
0x49: {  	_ =	shalt  }
0x4a: {  	_ =	shalt  }
0x4b: {  	_ =	shalt  }
0x4c: {  	_ =	shalt  }
0x4d: {  	_ =	shalt  }
0x4e: {  	_ =	shalt  }
0x4f: {  	_ =	shalt  }
0x50: {  	_ =	shalt  }
0x51: {  	_ =	shalt  }
0x52: {  	_ =	shalt  }
0x53: {  	_ =	shalt  }
0x54: {  	_ =	shalt  }
0x55: {  	_ =	shalt  }
0x56: {  	_ =	shalt  }
0x57: {  	_ =	shalt  }
0x58: {  	_ =	shalt  }
0x59: {  	_ =	shalt  }
0x5a: {  	_ =	shalt  }
0x5b: {  	_ =	shalt  }
0x5c: {  	_ =	shalt  }
0x5d: {  	_ =	shalt  }
0x5e: {  	_ =	shalt  }
0x5f: {  	_ =	shalt  }
0x60: {  	_ =	shalt  }
0x61: {  	_ =	shalt  }
0x62: {  	_ =	shalt  }
0x63: {  	_ =	shalt  }
0x64: {  	_ =	shalt  }
0x65: {  	_ =	shalt  }
0x66: {  	_ =	shalt  }
0x67: {  	_ =	shalt  }
0x68: {  	_ =	shalt  }
0x69: {  	_ =	shalt  }
0x6a: {  	_ =	shalt  }
0x6b: {  	_ =	shalt  }
0x6c: {  	_ =	shalt  }
0x6d: {  	_ =	shalt  }
0x6e: {  	_ =	shalt  }
0x6f: {  	_ =	shalt  }
0x70: {  	_ =	shalt  }
0x71: {  	_ =	shalt  }
0x72: {  	_ =	shalt  }
0x73: {  	_ =	shalt  }
0x74: {  	_ =	shalt  }
0x75: {  	_ =	shalt  }
0x76: {  	_ =	shalt  }
0x77: {  	_ =	shalt  }
0x78: {  	_ =	shalt  }
0x79: {  	_ =	shalt  }
0x7a: {  	_ =	shalt  }
0x7b: {  	_ =	shalt  }
0x7c: {  	_ =	shalt  }
0x7d: {  	_ =	shalt  }
0x7e: {  	_ =	shalt  }
0x7f: {  	_ =	shalt  }
0x80: {  	_ =	shalt  }
0x81: {  	_ =	shalt  }
0x82: {  	_ =	shalt  }
0x83: {  	_ =	shalt  }
0x84: {  	_ =	shalt  }
0x85: {  	_ =	shalt  }
0x86: {  	_ =	shalt  }
0x87: {  	_ =	shalt  }
.Lfunc_end0:
.L_simem_size_0:
called_computation.1_lowered:
.L_overlay_start_0:
0x88: {  	s2 =	sld [smem:$0x3FD9]  }
0x89: {  	s3 =	sld [smem:$0x3FFE];
	_ =	sdelay $0x1  }
0x8a: {  	s1 =	srdreg.scid  }
0x8b: {  	s0 =	sand.u32 $0x1, s1  }
0x8c: {  	s17 =	sshll.u32 s0, $0xA;
	s2 =	sadd.s32 s3, s2  }
0x8d: {  	s2 =	sadd.s32 s2, s17  }
0x8e: {  	[smem:$0x3FC6] =	sst s2  }
0x8f: {  	_ = 	snop  }
0x90: {  	s2 =	sld [smem:$0x3FD0];
	(tm) =	ssettm $0x1  }
0x91: {  	s18 =	sld [smem:$0x3FFB];
	_ =	sdelay $0x3  }
0x92: {  	_ =	strace s18  }
0x93: {  	s3 =	sld [smem:$0x3FFC];
	_ =	sdelay $0x3  }
0x94: {  	_ =	strace s3  }
0x95: {  	s3 =	sld [smem:$0x3FFD];
	_ =	sdelay $0x3  }
0x96: {  	_ =	strace s3  }
0x97: {  	_ =	strace $0x8FFFFFFF  }
0x98: {  	s19 =	sld [smem:$0x3FDB];
	_ =	sdelay $0x1  }
0x99: {  	s4 =	simm.s32 $_scs_section_size  }
0x9a: {  	s5 =	simm.s32 $_size__tile_overlayer_lowered;
	s6 =	simm.s32 $_tile_overlayer_lowered  }
0x9b: {  	s22 =	simm.s32 $0x1BFF;
	s21 =	sshll.u32 s6, $0x1;
	s3 =	sadd.s32 s4, s19  }
0x9c: {  	s7 =	simm.s32 $0x0;
	s20 =	sshll.u32 s5, $0x1;
	s5 =	sadd.s32 s21, s3  }
0x9d: {  	[timem:s7], [sflag:s22] =	dma.local [hbm:s5], s20  }
0x9e: {  	_ =	swait.ge [sflag:s22], s20  }
0x9f: {  	s4 =	ssub.s32 $0x0, s20;
	[sflag:s22] =	ssyncset.done $0x0  }
0xa0: {  	[sflag:s22] =	ssyncadd.s32 s4;
	_ =	sdelay $0x1  }
0xa1: {  	s23 =	simm.s32 $0x1B8B  }
0xa2: {  	_ =	swait.ge [sflag:s23], $0x1  }
0xa3: {  	[sflag:s23] =	ssyncset.done $0x0  }
0xa4: {  	s25 =	simm.s32 $0x1B8E;
	s24 =	sld [smem:$0x3FFE];
	[sflag:s23] =	ssyncadd.s32 $0xFFFFFFFF  }
0xa5: {  	s26 =	simm.s32 $execute0_lowered;
	[smem:$0x3FD2] =	sst s25  }
0xa6: {  	s5 =	sshll.u32 s26, $0x1;
	_ =	strace $0x80000046;
	[dreg:$0x1] =	wrdreg $0xFFFFFFFF  }
0xa7: {  	s28 =	simm.s32 $_size_execute0_lowered;
	s3 =	sadd.s32 s3, s5;
	[dreg:$0x0] =	wrdreg $0x0  }
0xa8: {  	s5 =	sshll.u32 s28, $0x1;
	[dreg:$0x2] =	wrdreg s3  }
0xa9: {  	[dreg:$0x3] =	wrdreg s5  }
0xaa: {  	[dreg:$0x4] =	wrdreg $0xC0  }
0xab: {  	_ =	task [dreg:s7], $0x5FFFF  }
0xac: {  	[dreg:$0x1] =	wrdreg $0xFFFFFFFF  }
0xad: {  	[dreg:$0x0] =	wrdreg $0x60  }
0xae: {  	[dreg:$0x2] =	wrdreg s24  }
0xaf: {  	[dreg:$0x3] =	wrdreg s2  }
0xb0: {  	[dreg:$0x4] =	wrdreg $0x9  }
0xb1: {  	_ =	task.clear_ibuf [dreg:s7], $0x5FFFF;
	_ =	strace $0x90000046  }
0xb2: {  	s29 =	simm.s32 $0x9;
	_ =	strace $0x80000048  }
0xb3: {  	_ =	swait.ge [sflag:s29], $0x1  }
0xb4: {  	[sflag:s29] =	ssyncadd.s32 $0xFFFFFFFF  }
0xb5: {  	_ =	strace $0x90000048  }
0xb6: {  	_ =	sfence  }
0xb7: {  	s30 =	sld [smem:$0x0];
	_ =	sdelay $0x2  }
0xb8: {  	s31 =	sshll.u32 s1, $0xD;
	s1 =	sshrl.u32 s1, $0x2  }
0xb9: {  	s3 =	sand.u32 $0x4000, s31;
	s1 =	sadd.s32 s1, s30  }
0xba: {  	s0 =	sor.u32 s3, s0;
	s1 =	sshll.u32 s1, $0x11  }
0xbb: {  	s0 =	sor.u32 s1, s0  }
0xbc: {  	s0 =	sadd.s32 $0x8F2B, s0  }
0xbd: {  	[sflag:s0] =	ssyncadd.remote.s32 $0x1  }
0xbe: {  	_ =	sfence.sel $0xFFFF  }
0xbf: {  	[dreg:$0x0] =	wrdreg $0xFFFFFFFF;
	(pc) =	sbr.abs _section_cstart, $3  }
0xc0: {  	[dreg:$0x1] =	wrdreg $0xFFFFFFFF  }
0xc1: {  	_ =	task.clear_ibuf [dreg:s7], $0x2FFFF;
	_ =	strace $0x9FFFFFFF  }
0xc2: {  	(tm) =	ssettm $0x7FFFFFFF  }
0xc3: {  	_ =	shalt  }
tec
execute0_lowered:
.L_overlay_start_1:
0x0: {  	(tag) =	ssettag $0x1  }
0x1: {  	s1 =	srdreg.scid;
	s5 =	rddreg [dreg:$0x0]  }
0x2: {  	s0 =	stileid.u32;
	s2 =	rddreg [dreg:$0x1];
	s3 =	simm.s32 $0x0  }
0x3: {  	s8 =	simm.s32 $0x9;
	s9 =	simm.s32 $0x60;
	s10 =	simm.s32 $0x6400  }
0x4: {  	s11 =	simm.s32 $0x68;
	s12 =	simm.s32 $0x7E00;
	s13 =	simm.s32 $0x9800  }
0x5: {  	s14 =	simm.s32 $0x1;
	s15 =	simm.s32 $0xB200;
	s16 =	simm.s32 $0x2  }
0x6: {  	s17 =	simm.s32 $0x3;
	s18 =	simm.s32 $0x4;
	s1 =	sand.u32 $0x1, s1  }
0x7: {  	s19 =	simm.s32 $0x5;
	s4 =	sshll.u32 s0, $0x8;
	s6 =	sshll.u32 s1, $0x7  }
0x8: {  	s20 =	simm.s32 $0x6;
	s21 =	simm.s32 $0x7;
	s4 =	sor.u32 s6, s4  }
0x9: {  	s22 =	simm.s32 $0x8;
	s1 =	ssub.s32 $0x2, s1;
	s6 =	smul.u32 $0x19, s4  }
0xa: {  	s23 =	simm.s32 $0x0;
	[smem:$0x7FF] =	sst s3;
	s7 =	sshrl.u32 s1, $0x1  }
0xb: {  	_ =	strace $0x80000047;
	s1 =	ssub.s32 s1, s7;
	s6 =	sadd.s32 s6, s5  }
0xc: {  	s7 =	smax.u32 s1, $0x1;
	s5 =	sadd.s32 $0xF43000, s5;
	s6 =	sadd.s32 $0xA00, s6  }
.LBB2_1:
0xd: {  	[tilespmem:s3], [sflag:$0x9] =	stream.linear.gather [hbm4b:s6+s3], $0x6400, $0x38;
	[tilespmem:$0xCC00] =	vst v63  }
0xe: {  	_ =	swait.ge [sflag:s8], $0x6400  }
0xf: {  	[sflag:s8] =	ssyncset.done $0x0  }
0x10: {  	[sflag:s8] =	ssyncadd.s32 $0xFFFF9C00  }
0x11: {  	[tilespmem:s10], [sflag:$0x1] =	stream.indirect.gather [hbm4b:s5+s9], $0x40, s3, s9, $0xb8;
	[tilespmem:$0xCC00] =	vst v63  }
0x12: {  	s24 =	simm.s32 $0x0  }
0x13: {  	[tilespmem:s12], [sflag:$0x2] =	stream.indirect.gather [hbm4b:s5+s11], $0x40, s9, s11, $0xb8;
	[tilespmem:$0xCC00] =	vst v63  }
.LBB2_2:
0x14: {  	p0 =	seq.s32 s24, $0x0  }
0x15: {  	s25 =	sshllo.u32 s24, $0x1;
	s1 =	simm.s32 @!p0 $0x7  }
0x16: {  	s26 =	smul.u32 $0x320, s25;
	_ =	swait.ge @!p0 [sflag:s1], $0x1800  }
0x17: {  	[sflag:s1] =	ssyncset.done @!p0 $0x0  }
0x18: {  	s28 =	sshra.s32 s26, $0x2;
	[sflag:s1] =	ssyncadd.s32 @!p0 $0xFFFFE800  }
0x19: {  	[tilespmem:s13], [sflag:$0x3] =	stream.indirect.gather [hbm4b:s5+s9], $0x40, s28, s9, $0xb8;
	[tilespmem:$0xCC00] =	vst v63  }
0x1a: {  	_ =	swait.ge [sflag:s14], $0x1800  }
0x1b: {  	[sflag:s14] =	ssyncset.done $0x0  }
0x1c: {  	s30 =	simm.s32 $0x6500;
	[sflag:s14] =	ssyncadd.s32 $0xFFFFE800  }
0x1d: {  	v0 =	vld [tilespmem:s30+$0xF0]  }
0x1e: {  	v1 =	vld [tilespmem:s30+$0xFFFFFF10]  }
0x1f: {  	v2 =	vld [tilespmem:s30+$0xFFFFFF20]  }
0x20: {  	v3 =	vld [tilespmem:s30+$0xFFFFFF30]  }
0x21: {  	v4 =	vld [tilespmem:s30+$0xFFFFFF40]  }
0x22: {  	v5 =	vld [tilespmem:s30+$0xFFFFFF50];
	v0 =	vmul.f32 $8.000000000e+00, v0  }
0x23: {  	v6 =	vld [tilespmem:s30+$0xFFFFFF60];
	v1 =	vmul.f32 $8.000000000e+00, v1  }
0x24: {  	v7 =	vld [tilespmem:s30+$0xFFFFFF70];
	v2 =	vmul.f32 $8.000000000e+00, v2;
	[tilespmem:s30+$0xF0] =	vst v0  }
0x25: {  	[tilespmem:s30+$0xFFFFFF10] =	vst v1;
	v0 =	vmul.f32 $8.000000000e+00, v3;
	v1 =	vld [tilespmem:s30+$0xFFFFFF80]  }
0x26: {  	[tilespmem:s30+$0xFFFFFF20] =	vst v2;
	v2 =	vmul.f32 $8.000000000e+00, v4;
	v3 =	vld [tilespmem:s30+$0xFFFFFF90]  }
0x27: {  	v4 =	vld [tilespmem:s30+$0xFFFFFFA0];
	[tilespmem:s30+$0xFFFFFF30] =	vst v0;
	v0 =	vmul.f32 $8.000000000e+00, v5  }
0x28: {  	[tilespmem:s30+$0xFFFFFF40] =	vst v2;
	v2 =	vmul.f32 $8.000000000e+00, v6;
	v5 =	vld [tilespmem:s30+$0xFFFFFFB0]  }
0x29: {  	v6 =	vld [tilespmem:s30+$0xFFFFFFC0];
	[tilespmem:s30+$0xFFFFFF50] =	vst v0;
	v0 =	vmul.f32 $8.000000000e+00, v7  }
0x2a: {  	[tilespmem:s30+$0xFFFFFF60] =	vst v2;
	v2 =	vld [tilespmem:s30+$0xFFFFFFD0];
	v1 =	vmul.f32 $8.000000000e+00, v1  }
0x2b: {  	[tilespmem:s30+$0xFFFFFF70] =	vst v0;
	v0 =	vmul.f32 $8.000000000e+00, v3;
	v3 =	vld [tilespmem:s30+$0xFFFFFFE0]  }
0x2c: {  	[tilespmem:s30+$0xFFFFFF80] =	vst v1;
	v1 =	vmul.f32 $8.000000000e+00, v4;
	v4 =	vld [tilespmem:s30+$0xFFFFFFF0]  }
0x2d: {  	[tilespmem:s30+$0xFFFFFF90] =	vst v0;
	v0 =	vmul.f32 $8.000000000e+00, v5;
	v5 =	vld [tilespmem:s30+$0x0]  }
0x2e: {  	[tilespmem:s30+$0xFFFFFFA0] =	vst v1;
	v1 =	vmul.f32 $8.000000000e+00, v6;
	v6 =	vld [tilespmem:s30+$0x10]  }
0x2f: {  	[tilespmem:s30+$0xFFFFFFB0] =	vst v0;
	v0 =	vmul.f32 $8.000000000e+00, v2;
	v2 =	vld [tilespmem:s30+$0x20]  }
0x30: {  	[tilespmem:s30+$0xFFFFFFC0] =	vst v1;
	v1 =	vmul.f32 $8.000000000e+00, v3;
	v3 =	vld [tilespmem:s30+$0x30]  }
0x31: {  	[tilespmem:s30+$0xFFFFFFD0] =	vst v0;
	v0 =	vmul.f32 $8.000000000e+00, v4;
	v4 =	vld [tilespmem:s30+$0x40]  }
0x32: {  	[tilespmem:s30+$0xFFFFFFE0] =	vst v1;
	v1 =	vmul.f32 $8.000000000e+00, v5;
	v5 =	vld [tilespmem:s30+$0x50]  }
0x33: {  	[tilespmem:s30+$0xFFFFFFF0] =	vst v0;
	v0 =	vmul.f32 $8.000000000e+00, v6;
	v6 =	vld [tilespmem:s30+$0x60]  }
0x34: {  	[tilespmem:s30+$0x0] =	vst v1;
	v1 =	vmul.f32 $8.000000000e+00, v2;
	v2 =	vld [tilespmem:s30+$0x70]  }
0x35: {  	[tilespmem:s30+$0x10] =	vst v0;
	v0 =	vmul.f32 $8.000000000e+00, v3;
	v3 =	vld [tilespmem:s30+$0x80]  }
0x36: {  	[tilespmem:s30+$0x20] =	vst v1;
	v1 =	vmul.f32 $8.000000000e+00, v4;
	v4 =	vld [tilespmem:s30+$0x90]  }
0x37: {  	v7 =	vld [tilespmem:s30+$0xA0];
	[tilespmem:s30+$0x30] =	vst v0;
	v5 =	vmul.f32 $8.000000000e+00, v5  }
0x38: {  	v0 =	vld [tilespmem:s30+$0xB0];
	[tilespmem:s30+$0x40] =	vst v1;
	v6 =	vmul.f32 $8.000000000e+00, v6  }
0x39: {  	v1 =	vld [tilespmem:s30+$0xC0];
	[tilespmem:s30+$0x50] =	vst v5;
	v5 =	vmul.f32 $8.000000000e+00, v2  }
0x3a: {  	v2 =	vld [tilespmem:s30+$0xD0];
	[tilespmem:s30+$0x60] =	vst v6;
	v6 =	vmul.f32 $8.000000000e+00, v3  }
0x3b: {  	s29 =	sshll.u32 s24, $0x1;
	v3 =	vld [tilespmem:s30+$0xE0];
	[tilespmem:s30+$0x70] =	vst v5;
	v5 =	vmul.f32 $8.000000000e+00, v4  }
0x3c: {  	s31 =	simm.s32 $0x0;
	s26 =	sshll.u32 s24, $0x2;
	s1 =	simm.s32 $0x6700;
	v4 =	vld [tilespmem:s30+$0xFFFFFF00];
	[tilespmem:s30+$0x80] =	vst v6;
	v6 =	vmul.f32 $8.000000000e+00, v7  }
.LBB2_3:
0x3d: {  	v7 =	vld [tilespmem:s1+$0xF0];
	s31 =	sadd.s32 $0x8, s31;
	[tilespmem:s30+$0x90] =	vst v5;
	v0 =	vmul.f32 $8.000000000e+00, v0  }
0x3e: {  	v5 =	vld [tilespmem:s1+$0xFFFFFF10];
	p1 =	slt.u32 s31, $0x58;
	[tilespmem:s30+$0xA0] =	vst v6;
	v1 =	vmul.f32 $8.000000000e+00, v1  }
0x3f: {  	v6 =	vld [tilespmem:s1+$0xFFFFFF20];
	[tilespmem:s30+$0xB0] =	vst v0;
	v0 =	vmul.f32 $8.000000000e+00, v2  }
0x40: {  	v2 =	vld [tilespmem:s1+$0xFFFFFF30];
	[tilespmem:s30+$0xC0] =	vst v1;
	v1 =	vmul.f32 $8.000000000e+00, v3  }
0x41: {  	v3 =	vld [tilespmem:s1+$0xFFFFFF40];
	v4 =	vmul.f32 $8.000000000e+00, v4;
	[tilespmem:s30+$0xD0] =	vst v0  }
0x42: {  	v0 =	vld [tilespmem:s1+$0xFFFFFF50];
	v7 =	vmul.f32 $8.000000000e+00, v7;
	[tilespmem:s30+$0xE0] =	vst v1  }
0x43: {  	v1 =	vmul.f32 $8.000000000e+00, v5;
	v5 =	vld [tilespmem:s1+$0xFFFFFF60];
	[tilespmem:s30+$0xFFFFFF00] =	vst v4;
	s30 =	smov.u32 s1  }
0x44: {  	v4 =	vmul.f32 $8.000000000e+00, v6;
	v6 =	vld [tilespmem:s1+$0xFFFFFF70];
	[tilespmem:s1+$0xF0] =	vst v7  }
0x45: {  	[tilespmem:s1+$0xFFFFFF10] =	vst v1;
	v1 =	vmul.f32 $8.000000000e+00, v2;
	v2 =	vld [tilespmem:s1+$0xFFFFFF80]  }
0x46: {  	[tilespmem:s1+$0xFFFFFF20] =	vst v4;
	v3 =	vmul.f32 $8.000000000e+00, v3;
	v4 =	vld [tilespmem:s1+$0xFFFFFF90]  }
0x47: {  	[tilespmem:s1+$0xFFFFFF30] =	vst v1;
	v0 =	vmul.f32 $8.000000000e+00, v0;
	v1 =	vld [tilespmem:s1+$0xFFFFFFA0]  }
0x48: {  	[tilespmem:s1+$0xFFFFFF40] =	vst v3;
	v3 =	vmul.f32 $8.000000000e+00, v5;
	v5 =	vld [tilespmem:s1+$0xFFFFFFB0]  }
0x49: {  	[tilespmem:s1+$0xFFFFFF50] =	vst v0;
	v0 =	vmul.f32 $8.000000000e+00, v6;
	v6 =	vld [tilespmem:s1+$0xFFFFFFC0]  }
0x4a: {  	[tilespmem:s1+$0xFFFFFF60] =	vst v3;
	v2 =	vmul.f32 $8.000000000e+00, v2;
	v3 =	vld [tilespmem:s1+$0xFFFFFFD0]  }
0x4b: {  	[tilespmem:s1+$0xFFFFFF70] =	vst v0;
	v0 =	vmul.f32 $8.000000000e+00, v4;
	v4 =	vld [tilespmem:s1+$0xFFFFFFE0]  }
0x4c: {  	[tilespmem:s1+$0xFFFFFF80] =	vst v2;
	v1 =	vmul.f32 $8.000000000e+00, v1;
	v2 =	vld [tilespmem:s1+$0xFFFFFFF0]  }
0x4d: {  	[tilespmem:s1+$0xFFFFFF90] =	vst v0;
	v0 =	vmul.f32 $8.000000000e+00, v5;
	v5 =	vld [tilespmem:s1+$0x0]  }
0x4e: {  	[tilespmem:s1+$0xFFFFFFA0] =	vst v1;
	v1 =	vmul.f32 $8.000000000e+00, v6;
	v6 =	vld [tilespmem:s1+$0x10]  }
0x4f: {  	[tilespmem:s1+$0xFFFFFFB0] =	vst v0;
	v0 =	vmul.f32 $8.000000000e+00, v3;
	v3 =	vld [tilespmem:s1+$0x20]  }
0x50: {  	[tilespmem:s1+$0xFFFFFFC0] =	vst v1;
	v1 =	vmul.f32 $8.000000000e+00, v4;
	v4 =	vld [tilespmem:s1+$0x30]  }
0x51: {  	[tilespmem:s1+$0xFFFFFFD0] =	vst v0;
	v0 =	vmul.f32 $8.000000000e+00, v2;
	v2 =	vld [tilespmem:s1+$0x40]  }
0x52: {  	[tilespmem:s1+$0xFFFFFFE0] =	vst v1;
	v1 =	vmul.f32 $8.000000000e+00, v5;
	v5 =	vld [tilespmem:s1+$0x50]  }
0x53: {  	[tilespmem:s1+$0xFFFFFFF0] =	vst v0;
	v0 =	vmul.f32 $8.000000000e+00, v6;
	v6 =	vld [tilespmem:s1+$0x60]  }
0x54: {  	[tilespmem:s1+$0x0] =	vst v1;
	v1 =	vmul.f32 $8.000000000e+00, v3;
	v3 =	vld [tilespmem:s1+$0x70]  }
0x55: {  	[tilespmem:s1+$0x10] =	vst v0;
	v0 =	vmul.f32 $8.000000000e+00, v4;
	v4 =	vld [tilespmem:s1+$0x80]  }
0x56: {  	[tilespmem:s1+$0x20] =	vst v1;
	v1 =	vmul.f32 $8.000000000e+00, v2;
	v7 =	vld [tilespmem:s1+$0x90]  }
0x57: {  	[tilespmem:s1+$0x30] =	vst v0;
	v2 =	vmul.f32 $8.000000000e+00, v5;
	v8 =	vld [tilespmem:s1+$0xA0]  }
.Ltmp0:
0x58: {  	[tilespmem:s1+$0x40] =	vst v1;
	v5 =	vmul.f32 $8.000000000e+00, v6;
	v0 =	vld [tilespmem:s1+$0xB0];
	(pc) =	sbr.rel @p1 .LBB2_3-.Ltmp0, $4  }
0x59: {  	[tilespmem:s1+$0x50] =	vst v2;
	v3 =	vmul.f32 $8.000000000e+00, v3;
	v1 =	vld [tilespmem:s1+$0xC0]  }
0x5a: {  	[tilespmem:s1+$0x60] =	vst v5;
	v6 =	vmul.f32 $8.000000000e+00, v4;
	v2 =	vld [tilespmem:s1+$0xD0]  }
0x5b: {  	[tilespmem:s1+$0x70] =	vst v3;
	v5 =	vmul.f32 $8.000000000e+00, v7;
	v3 =	vld [tilespmem:s1+$0xE0]  }
0x5c: {  	s1 =	sadd.s32 $0x200, s1;
	v4 =	vld [tilespmem:s30+$0xFFFFFF00];
	[tilespmem:s30+$0x80] =	vst v6;
	v6 =	vmul.f32 $8.000000000e+00, v8  }
0x5d: {  	[tilespmem:s30+$0x90] =	vst v5;
	v0 =	vmul.f32 $8.000000000e+00, v0  }
0x5e: {  	[tilespmem:s30+$0xA0] =	vst v6;
	v1 =	vmul.f32 $8.000000000e+00, v1  }
0x5f: {  	[tilespmem:s30+$0xB0] =	vst v0;
	v0 =	vmul.f32 $8.000000000e+00, v2  }
0x60: {  	s29 =	sadd.s32 s4, s29;
	[tilespmem:s30+$0xC0] =	vst v1;
	v1 =	vmul.f32 $8.000000000e+00, v3  }
0x61: {  	s1 =	smul.u32 $0x640, s29;
	v2 =	vmul.f32 $8.000000000e+00, v4;
	[tilespmem:s30+$0xD0] =	vst v0  }
0x62: {  	[tilespmem:s30+$0xE0] =	vst v1  }
0x63: {  	s1 =	sadd.s32 s2, s1;
	[tilespmem:s30+$0xFFFFFF00] =	vst v2  }
0x64: {  	[hbm4b:s1+s3] =	stream.linear.scatter [tilespmem:s10], [sflag:$0x5], $0x1800, $0x38;
	[tilespmem:$0xCC00] =	vst v63  }
0x65: {  	s1 =	simm.s32 @!p0 $0x8  }
0x66: {  	_ =	swait.ge @!p0 [sflag:s1], $0x1A00  }
0x67: {  	[sflag:s1] =	ssyncset.done @!p0 $0x0  }
0x68: {  	s31 =	sadd.s32 $0x60, s28;
	[sflag:s1] =	ssyncadd.s32 @!p0 $0xFFFFE600  }
0x69: {  	[tilespmem:s15], [sflag:$0x4] =	stream.indirect.gather [hbm4b:s5+s11], $0x40, s31, s11, $0xb8;
	[tilespmem:$0xCC00] =	vst v63  }
0x6a: {  	_ =	swait.ge [sflag:s16], $0x1A00  }
0x6b: {  	[sflag:s16] =	ssyncset.done $0x0  }
0x6c: {  	s28 =	simm.s32 $0x7F00;
	[sflag:s16] =	ssyncadd.s32 $0xFFFFE600  }
0x6d: {  	v0 =	vld [tilespmem:s28+$0xF0]  }
0x6e: {  	v1 =	vld [tilespmem:s28+$0xFFFFFF10]  }
0x6f: {  	v2 =	vld [tilespmem:s28+$0xFFFFFF20]  }
0x70: {  	v3 =	vld [tilespmem:s28+$0xFFFFFF30]  }
0x71: {  	v4 =	vld [tilespmem:s28+$0xFFFFFF40]  }
0x72: {  	v5 =	vld [tilespmem:s28+$0xFFFFFF50];
	v0 =	vmul.f32 $8.000000000e+00, v0  }
0x73: {  	v6 =	vld [tilespmem:s28+$0xFFFFFF60];
	v1 =	vmul.f32 $8.000000000e+00, v1  }
0x74: {  	v7 =	vld [tilespmem:s28+$0xFFFFFF70];
	v2 =	vmul.f32 $8.000000000e+00, v2;
	[tilespmem:s28+$0xF0] =	vst v0  }
0x75: {  	[tilespmem:s28+$0xFFFFFF10] =	vst v1;
	v0 =	vmul.f32 $8.000000000e+00, v3;
	v1 =	vld [tilespmem:s28+$0xFFFFFF80]  }
0x76: {  	[tilespmem:s28+$0xFFFFFF20] =	vst v2;
	v2 =	vmul.f32 $8.000000000e+00, v4;
	v3 =	vld [tilespmem:s28+$0xFFFFFF90]  }
0x77: {  	v4 =	vld [tilespmem:s28+$0xFFFFFFA0];
	[tilespmem:s28+$0xFFFFFF30] =	vst v0;
	v0 =	vmul.f32 $8.000000000e+00, v5  }
0x78: {  	[tilespmem:s28+$0xFFFFFF40] =	vst v2;
	v2 =	vmul.f32 $8.000000000e+00, v6;
	v5 =	vld [tilespmem:s28+$0xFFFFFFB0]  }
0x79: {  	v6 =	vld [tilespmem:s28+$0xFFFFFFC0];
	[tilespmem:s28+$0xFFFFFF50] =	vst v0;
	v0 =	vmul.f32 $8.000000000e+00, v7  }
0x7a: {  	[tilespmem:s28+$0xFFFFFF60] =	vst v2;
	v2 =	vld [tilespmem:s28+$0xFFFFFFD0];
	v1 =	vmul.f32 $8.000000000e+00, v1  }
0x7b: {  	[tilespmem:s28+$0xFFFFFF70] =	vst v0;
	v0 =	vmul.f32 $8.000000000e+00, v3;
	v3 =	vld [tilespmem:s28+$0xFFFFFFE0]  }
0x7c: {  	[tilespmem:s28+$0xFFFFFF80] =	vst v1;
	v1 =	vmul.f32 $8.000000000e+00, v4;
	v4 =	vld [tilespmem:s28+$0xFFFFFFF0]  }
0x7d: {  	[tilespmem:s28+$0xFFFFFF90] =	vst v0;
	v0 =	vmul.f32 $8.000000000e+00, v5;
	v5 =	vld [tilespmem:s28+$0x0]  }
0x7e: {  	[tilespmem:s28+$0xFFFFFFA0] =	vst v1;
	v1 =	vmul.f32 $8.000000000e+00, v6;
	v6 =	vld [tilespmem:s28+$0x10]  }
0x7f: {  	[tilespmem:s28+$0xFFFFFFB0] =	vst v0;
	v0 =	vmul.f32 $8.000000000e+00, v2;
	v2 =	vld [tilespmem:s28+$0x20]  }
0x80: {  	[tilespmem:s28+$0xFFFFFFC0] =	vst v1;
	v1 =	vmul.f32 $8.000000000e+00, v3;
	v3 =	vld [tilespmem:s28+$0x30]  }
0x81: {  	[tilespmem:s28+$0xFFFFFFD0] =	vst v0;
	v0 =	vmul.f32 $8.000000000e+00, v4;
	v4 =	vld [tilespmem:s28+$0x40]  }
0x82: {  	[tilespmem:s28+$0xFFFFFFE0] =	vst v1;
	v1 =	vmul.f32 $8.000000000e+00, v5;
	v5 =	vld [tilespmem:s28+$0x50]  }
0x83: {  	[tilespmem:s28+$0xFFFFFFF0] =	vst v0;
	v0 =	vmul.f32 $8.000000000e+00, v6;
	v6 =	vld [tilespmem:s28+$0x60]  }
0x84: {  	[tilespmem:s28+$0x0] =	vst v1;
	v1 =	vmul.f32 $8.000000000e+00, v2;
	v2 =	vld [tilespmem:s28+$0x70]  }
0x85: {  	[tilespmem:s28+$0x10] =	vst v0;
	v0 =	vmul.f32 $8.000000000e+00, v3;
	v3 =	vld [tilespmem:s28+$0x80]  }
0x86: {  	[tilespmem:s28+$0x20] =	vst v1;
	v1 =	vmul.f32 $8.000000000e+00, v4;
	v4 =	vld [tilespmem:s28+$0x90]  }
0x87: {  	v7 =	vld [tilespmem:s28+$0xA0];
	[tilespmem:s28+$0x30] =	vst v0;
	v5 =	vmul.f32 $8.000000000e+00, v5  }
0x88: {  	v0 =	vld [tilespmem:s28+$0xB0];
	[tilespmem:s28+$0x40] =	vst v1;
	v6 =	vmul.f32 $8.000000000e+00, v6  }
0x89: {  	v1 =	vld [tilespmem:s28+$0xC0];
	[tilespmem:s28+$0x50] =	vst v5;
	v2 =	vmul.f32 $8.000000000e+00, v2  }
0x8a: {  	[tilespmem:s28+$0x60] =	vst v6;
	v6 =	vmul.f32 $8.000000000e+00, v3;
	v3 =	vld [tilespmem:s28+$0xD0]  }
0x8b: {  	[tilespmem:s28+$0x70] =	vst v2;
	v2 =	vld [tilespmem:s28+$0xE0];
	v5 =	vmul.f32 $8.000000000e+00, v4  }
0x8c: {  	s30 =	simm.s32 $0x0;
	s1 =	simm.s32 $0x8100;
	v4 =	vld [tilespmem:s28+$0xFFFFFF00];
	[tilespmem:s28+$0x80] =	vst v6;
	v6 =	vmul.f32 $8.000000000e+00, v7  }
.LBB2_5:
0x8d: {  	v7 =	vld [tilespmem:s1+$0xF0];
	s30 =	sadd.s32 $0x8, s30;
	[tilespmem:s28+$0x90] =	vst v5;
	v0 =	vmul.f32 $8.000000000e+00, v0  }
0x8e: {  	v5 =	vld [tilespmem:s1+$0xFFFFFF10];
	p0 =	slt.u32 s30, $0x60;
	[tilespmem:s28+$0xA0] =	vst v6;
	v1 =	vmul.f32 $8.000000000e+00, v1  }
0x8f: {  	v6 =	vld [tilespmem:s1+$0xFFFFFF20];
	[tilespmem:s28+$0xB0] =	vst v0;
	v0 =	vmul.f32 $8.000000000e+00, v3  }
0x90: {  	v3 =	vld [tilespmem:s1+$0xFFFFFF30];
	[tilespmem:s28+$0xC0] =	vst v1;
	v1 =	vmul.f32 $8.000000000e+00, v2  }
0x91: {  	v2 =	vld [tilespmem:s1+$0xFFFFFF40];
	v4 =	vmul.f32 $8.000000000e+00, v4;
	[tilespmem:s28+$0xD0] =	vst v0  }
0x92: {  	v0 =	vld [tilespmem:s1+$0xFFFFFF50];
	v7 =	vmul.f32 $8.000000000e+00, v7;
	[tilespmem:s28+$0xE0] =	vst v1  }
0x93: {  	v1 =	vmul.f32 $8.000000000e+00, v5;
	v5 =	vld [tilespmem:s1+$0xFFFFFF60];
	[tilespmem:s28+$0xFFFFFF00] =	vst v4;
	s28 =	smov.u32 s1  }
0x94: {  	v4 =	vmul.f32 $8.000000000e+00, v6;
	v6 =	vld [tilespmem:s1+$0xFFFFFF70];
	[tilespmem:s1+$0xF0] =	vst v7  }
0x95: {  	[tilespmem:s1+$0xFFFFFF10] =	vst v1;
	v1 =	vmul.f32 $8.000000000e+00, v3;
	v3 =	vld [tilespmem:s1+$0xFFFFFF80]  }
0x96: {  	[tilespmem:s1+$0xFFFFFF20] =	vst v4;
	v2 =	vmul.f32 $8.000000000e+00, v2;
	v4 =	vld [tilespmem:s1+$0xFFFFFF90]  }
0x97: {  	[tilespmem:s1+$0xFFFFFF30] =	vst v1;
	v0 =	vmul.f32 $8.000000000e+00, v0;
	v1 =	vld [tilespmem:s1+$0xFFFFFFA0]  }
0x98: {  	[tilespmem:s1+$0xFFFFFF40] =	vst v2;
	v2 =	vmul.f32 $8.000000000e+00, v5;
	v5 =	vld [tilespmem:s1+$0xFFFFFFB0]  }
0x99: {  	[tilespmem:s1+$0xFFFFFF50] =	vst v0;
	v0 =	vmul.f32 $8.000000000e+00, v6;
	v6 =	vld [tilespmem:s1+$0xFFFFFFC0]  }
0x9a: {  	[tilespmem:s1+$0xFFFFFF60] =	vst v2;
	v2 =	vmul.f32 $8.000000000e+00, v3;
	v3 =	vld [tilespmem:s1+$0xFFFFFFD0]  }
0x9b: {  	[tilespmem:s1+$0xFFFFFF70] =	vst v0;
	v0 =	vmul.f32 $8.000000000e+00, v4;
	v4 =	vld [tilespmem:s1+$0xFFFFFFE0]  }
0x9c: {  	[tilespmem:s1+$0xFFFFFF80] =	vst v2;
	v1 =	vmul.f32 $8.000000000e+00, v1;
	v2 =	vld [tilespmem:s1+$0xFFFFFFF0]  }
0x9d: {  	[tilespmem:s1+$0xFFFFFF90] =	vst v0;
	v0 =	vmul.f32 $8.000000000e+00, v5;
	v5 =	vld [tilespmem:s1+$0x0]  }
0x9e: {  	[tilespmem:s1+$0xFFFFFFA0] =	vst v1;
	v1 =	vmul.f32 $8.000000000e+00, v6;
	v6 =	vld [tilespmem:s1+$0x10]  }
0x9f: {  	[tilespmem:s1+$0xFFFFFFB0] =	vst v0;
	v0 =	vmul.f32 $8.000000000e+00, v3;
	v3 =	vld [tilespmem:s1+$0x20]  }
0xa0: {  	[tilespmem:s1+$0xFFFFFFC0] =	vst v1;
	v1 =	vmul.f32 $8.000000000e+00, v4;
	v4 =	vld [tilespmem:s1+$0x30]  }
0xa1: {  	[tilespmem:s1+$0xFFFFFFD0] =	vst v0;
	v0 =	vmul.f32 $8.000000000e+00, v2;
	v2 =	vld [tilespmem:s1+$0x40]  }
0xa2: {  	[tilespmem:s1+$0xFFFFFFE0] =	vst v1;
	v1 =	vmul.f32 $8.000000000e+00, v5;
	v5 =	vld [tilespmem:s1+$0x50]  }
0xa3: {  	[tilespmem:s1+$0xFFFFFFF0] =	vst v0;
	v0 =	vmul.f32 $8.000000000e+00, v6;
	v6 =	vld [tilespmem:s1+$0x60]  }
0xa4: {  	[tilespmem:s1+$0x0] =	vst v1;
	v1 =	vmul.f32 $8.000000000e+00, v3;
	v3 =	vld [tilespmem:s1+$0x70]  }
0xa5: {  	[tilespmem:s1+$0x10] =	vst v0;
	v0 =	vmul.f32 $8.000000000e+00, v4;
	v4 =	vld [tilespmem:s1+$0x80]  }
0xa6: {  	[tilespmem:s1+$0x20] =	vst v1;
	v1 =	vmul.f32 $8.000000000e+00, v2;
	v2 =	vld [tilespmem:s1+$0x90]  }
0xa7: {  	[tilespmem:s1+$0x30] =	vst v0;
	v5 =	vmul.f32 $8.000000000e+00, v5;
	v7 =	vld [tilespmem:s1+$0xA0]  }
.Ltmp1:
0xa8: {  	[tilespmem:s1+$0x40] =	vst v1;
	v6 =	vmul.f32 $8.000000000e+00, v6;
	v0 =	vld [tilespmem:s1+$0xB0];
	(pc) =	sbr.rel @p0 .LBB2_5-.Ltmp1, $4  }
0xa9: {  	[tilespmem:s1+$0x50] =	vst v5;
	v5 =	vmul.f32 $8.000000000e+00, v3;
	v1 =	vld [tilespmem:s1+$0xC0]  }
0xaa: {  	[tilespmem:s1+$0x60] =	vst v6;
	v6 =	vmul.f32 $8.000000000e+00, v4;
	v3 =	vld [tilespmem:s1+$0xD0]  }
0xab: {  	[tilespmem:s1+$0x70] =	vst v5;
	v5 =	vmul.f32 $8.000000000e+00, v2;
	v2 =	vld [tilespmem:s1+$0xE0]  }
0xac: {  	s1 =	sadd.s32 $0x200, s1;
	v4 =	vld [tilespmem:s28+$0xFFFFFF00];
	[tilespmem:s28+$0x80] =	vst v6;
	v6 =	vmul.f32 $8.000000000e+00, v7  }
0xad: {  	[tilespmem:s28+$0x90] =	vst v5;
	v0 =	vmul.f32 $8.000000000e+00, v0  }
0xae: {  	[tilespmem:s28+$0xA0] =	vst v6;
	v1 =	vmul.f32 $8.000000000e+00, v1  }
0xaf: {  	s1 =	smul.u32 $0x3200, s29;
	[tilespmem:s28+$0xB0] =	vst v0;
	v0 =	vmul.f32 $8.000000000e+00, v3  }
0xb0: {  	[tilespmem:s28+$0xC0] =	vst v1;
	v1 =	vmul.f32 $8.000000000e+00, v2  }
0xb1: {  	s1 =	sshrl.u32 s1, $0x3;
	v2 =	vmul.f32 $8.000000000e+00, v4;
	[tilespmem:s28+$0xD0] =	vst v0  }
0xb2: {  	s1 =	sadd.s32 s2, s1;
	[tilespmem:s28+$0xE0] =	vst v1  }
0xb3: {  	s1 =	sadd.s32 $0x300, s1;
	[tilespmem:s28+$0xFFFFFF00] =	vst v2  }
0xb4: {  	[hbm4b:s1+s3] =	stream.linear.scatter [tilespmem:s12], [sflag:$0x6], $0x1A00, $0x38;
	[tilespmem:$0xCC00] =	vst v63  }
0xb5: {  	p0 =	seq.s32 s24, $0x3F;
	s1 =	sadd.s32 $0x4, s26  }
0xb6: {  	s26 =	simm.s32 @!p0 $0x5;
	s1 =	sshrl.u32 @!p0 s1, $0x1  }
0xb7: {  	_ =	swait.ge @!p0 [sflag:s26], $0x1800;
	s1 =	smul.u32 @!p0 $0x320, s1  }
0xb8: {  	s28 =	simm.s32 @!p0 $0x6400;
	[sflag:s26] =	ssyncset.done @!p0 $0x0  }
0xb9: {  	[sflag:s26] =	ssyncadd.s32 @!p0 $0xFFFFE800;
	s26 =	sshra.s32 @!p0 s1, $0x2;
	s1 =	simm.s32 @!p0 $0x60  }
0xba: {  	[tilespmem:s28], [sflag:$0x1] =	stream.indirect.gather @!p0 [hbm4b:s5+s1], $0x40, s26, s1, $0xb8;
	[tilespmem:$0xCC00] =	vst v63  }
0xbb: {  	_ =	swait.ge [sflag:s17], $0x1800  }
0xbc: {  	[sflag:s17] =	ssyncset.done $0x0  }
0xbd: {  	s28 =	simm.s32 $0x9900;
	[sflag:s17] =	ssyncadd.s32 $0xFFFFE800  }
0xbe: {  	v0 =	vld [tilespmem:s28+$0xF0]  }
0xbf: {  	v1 =	vld [tilespmem:s28+$0xFFFFFF10]  }
0xc0: {  	v2 =	vld [tilespmem:s28+$0xFFFFFF20]  }
0xc1: {  	v3 =	vld [tilespmem:s28+$0xFFFFFF30]  }
0xc2: {  	v4 =	vld [tilespmem:s28+$0xFFFFFF40]  }
0xc3: {  	v5 =	vld [tilespmem:s28+$0xFFFFFF50];
	v0 =	vmul.f32 $8.000000000e+00, v0  }
0xc4: {  	v6 =	vld [tilespmem:s28+$0xFFFFFF60];
	v1 =	vmul.f32 $8.000000000e+00, v1  }
0xc5: {  	v7 =	vld [tilespmem:s28+$0xFFFFFF70];
	v2 =	vmul.f32 $8.000000000e+00, v2;
	[tilespmem:s28+$0xF0] =	vst v0  }
0xc6: {  	[tilespmem:s28+$0xFFFFFF10] =	vst v1;
	v0 =	vmul.f32 $8.000000000e+00, v3;
	v1 =	vld [tilespmem:s28+$0xFFFFFF80]  }
0xc7: {  	[tilespmem:s28+$0xFFFFFF20] =	vst v2;
	v2 =	vmul.f32 $8.000000000e+00, v4;
	v3 =	vld [tilespmem:s28+$0xFFFFFF90]  }
0xc8: {  	v4 =	vld [tilespmem:s28+$0xFFFFFFA0];
	[tilespmem:s28+$0xFFFFFF30] =	vst v0;
	v0 =	vmul.f32 $8.000000000e+00, v5  }
0xc9: {  	[tilespmem:s28+$0xFFFFFF40] =	vst v2;
	v2 =	vmul.f32 $8.000000000e+00, v6;
	v5 =	vld [tilespmem:s28+$0xFFFFFFB0]  }
0xca: {  	v6 =	vld [tilespmem:s28+$0xFFFFFFC0];
	[tilespmem:s28+$0xFFFFFF50] =	vst v0;
	v0 =	vmul.f32 $8.000000000e+00, v7  }
0xcb: {  	[tilespmem:s28+$0xFFFFFF60] =	vst v2;
	v2 =	vld [tilespmem:s28+$0xFFFFFFD0];
	v1 =	vmul.f32 $8.000000000e+00, v1  }
0xcc: {  	[tilespmem:s28+$0xFFFFFF70] =	vst v0;
	v0 =	vmul.f32 $8.000000000e+00, v3;
	v3 =	vld [tilespmem:s28+$0xFFFFFFE0]  }
0xcd: {  	[tilespmem:s28+$0xFFFFFF80] =	vst v1;
	v1 =	vmul.f32 $8.000000000e+00, v4;
	v4 =	vld [tilespmem:s28+$0xFFFFFFF0]  }
0xce: {  	[tilespmem:s28+$0xFFFFFF90] =	vst v0;
	v0 =	vmul.f32 $8.000000000e+00, v5;
	v5 =	vld [tilespmem:s28+$0x0]  }
0xcf: {  	[tilespmem:s28+$0xFFFFFFA0] =	vst v1;
	v1 =	vmul.f32 $8.000000000e+00, v6;
	v6 =	vld [tilespmem:s28+$0x10]  }
0xd0: {  	[tilespmem:s28+$0xFFFFFFB0] =	vst v0;
	v0 =	vmul.f32 $8.000000000e+00, v2;
	v2 =	vld [tilespmem:s28+$0x20]  }
0xd1: {  	[tilespmem:s28+$0xFFFFFFC0] =	vst v1;
	v1 =	vmul.f32 $8.000000000e+00, v3;
	v3 =	vld [tilespmem:s28+$0x30]  }
0xd2: {  	[tilespmem:s28+$0xFFFFFFD0] =	vst v0;
	v0 =	vmul.f32 $8.000000000e+00, v4;
	v4 =	vld [tilespmem:s28+$0x40]  }
0xd3: {  	[tilespmem:s28+$0xFFFFFFE0] =	vst v1;
	v1 =	vmul.f32 $8.000000000e+00, v5;
	v5 =	vld [tilespmem:s28+$0x50]  }
0xd4: {  	[tilespmem:s28+$0xFFFFFFF0] =	vst v0;
	v0 =	vmul.f32 $8.000000000e+00, v6;
	v6 =	vld [tilespmem:s28+$0x60]  }
0xd5: {  	[tilespmem:s28+$0x0] =	vst v1;
	v1 =	vmul.f32 $8.000000000e+00, v2;
	v2 =	vld [tilespmem:s28+$0x70]  }
0xd6: {  	[tilespmem:s28+$0x10] =	vst v0;
	v0 =	vmul.f32 $8.000000000e+00, v3;
	v3 =	vld [tilespmem:s28+$0x80]  }
0xd7: {  	[tilespmem:s28+$0x20] =	vst v1;
	v1 =	vmul.f32 $8.000000000e+00, v4;
	v4 =	vld [tilespmem:s28+$0x90]  }
0xd8: {  	v7 =	vld [tilespmem:s28+$0xA0];
	[tilespmem:s28+$0x30] =	vst v0;
	v5 =	vmul.f32 $8.000000000e+00, v5  }
0xd9: {  	v0 =	vld [tilespmem:s28+$0xB0];
	[tilespmem:s28+$0x40] =	vst v1;
	v6 =	vmul.f32 $8.000000000e+00, v6  }
0xda: {  	v1 =	vld [tilespmem:s28+$0xC0];
	[tilespmem:s28+$0x50] =	vst v5;
	v5 =	vmul.f32 $8.000000000e+00, v2  }
0xdb: {  	v2 =	vld [tilespmem:s28+$0xD0];
	[tilespmem:s28+$0x60] =	vst v6;
	v6 =	vmul.f32 $8.000000000e+00, v3  }
0xdc: {  	v3 =	vld [tilespmem:s28+$0xE0];
	[tilespmem:s28+$0x70] =	vst v5;
	v5 =	vmul.f32 $8.000000000e+00, v4  }
0xdd: {  	s29 =	simm.s32 $0x0;
	s1 =	simm.s32 $0x9B00;
	v4 =	vld [tilespmem:s28+$0xFFFFFF00];
	[tilespmem:s28+$0x80] =	vst v6;
	v6 =	vmul.f32 $8.000000000e+00, v7  }
.LBB2_7:
0xde: {  	v7 =	vld [tilespmem:s1+$0xF0];
	s29 =	sadd.s32 $0x8, s29;
	[tilespmem:s28+$0x90] =	vst v5;
	v0 =	vmul.f32 $8.000000000e+00, v0  }
0xdf: {  	v5 =	vld [tilespmem:s1+$0xFFFFFF10];
	p1 =	slt.u32 s29, $0x58;
	[tilespmem:s28+$0xA0] =	vst v6;
	v1 =	vmul.f32 $8.000000000e+00, v1  }
0xe0: {  	v6 =	vld [tilespmem:s1+$0xFFFFFF20];
	[tilespmem:s28+$0xB0] =	vst v0;
	v0 =	vmul.f32 $8.000000000e+00, v2  }
0xe1: {  	v2 =	vld [tilespmem:s1+$0xFFFFFF30];
	[tilespmem:s28+$0xC0] =	vst v1;
	v1 =	vmul.f32 $8.000000000e+00, v3  }
0xe2: {  	v3 =	vld [tilespmem:s1+$0xFFFFFF40];
	v4 =	vmul.f32 $8.000000000e+00, v4;
	[tilespmem:s28+$0xD0] =	vst v0  }
0xe3: {  	v0 =	vld [tilespmem:s1+$0xFFFFFF50];
	v7 =	vmul.f32 $8.000000000e+00, v7;
	[tilespmem:s28+$0xE0] =	vst v1  }
0xe4: {  	v1 =	vmul.f32 $8.000000000e+00, v5;
	v5 =	vld [tilespmem:s1+$0xFFFFFF60];
	[tilespmem:s28+$0xFFFFFF00] =	vst v4;
	s28 =	smov.u32 s1  }
0xe5: {  	v4 =	vmul.f32 $8.000000000e+00, v6;
	v6 =	vld [tilespmem:s1+$0xFFFFFF70];
	[tilespmem:s1+$0xF0] =	vst v7  }
0xe6: {  	[tilespmem:s1+$0xFFFFFF10] =	vst v1;
	v1 =	vmul.f32 $8.000000000e+00, v2;
	v2 =	vld [tilespmem:s1+$0xFFFFFF80]  }
0xe7: {  	[tilespmem:s1+$0xFFFFFF20] =	vst v4;
	v3 =	vmul.f32 $8.000000000e+00, v3;
	v4 =	vld [tilespmem:s1+$0xFFFFFF90]  }
0xe8: {  	[tilespmem:s1+$0xFFFFFF30] =	vst v1;
	v0 =	vmul.f32 $8.000000000e+00, v0;
	v1 =	vld [tilespmem:s1+$0xFFFFFFA0]  }
0xe9: {  	[tilespmem:s1+$0xFFFFFF40] =	vst v3;
	v3 =	vmul.f32 $8.000000000e+00, v5;
	v5 =	vld [tilespmem:s1+$0xFFFFFFB0]  }
0xea: {  	[tilespmem:s1+$0xFFFFFF50] =	vst v0;
	v0 =	vmul.f32 $8.000000000e+00, v6;
	v6 =	vld [tilespmem:s1+$0xFFFFFFC0]  }
0xeb: {  	[tilespmem:s1+$0xFFFFFF60] =	vst v3;
	v2 =	vmul.f32 $8.000000000e+00, v2;
	v3 =	vld [tilespmem:s1+$0xFFFFFFD0]  }
0xec: {  	[tilespmem:s1+$0xFFFFFF70] =	vst v0;
	v0 =	vmul.f32 $8.000000000e+00, v4;
	v4 =	vld [tilespmem:s1+$0xFFFFFFE0]  }
0xed: {  	[tilespmem:s1+$0xFFFFFF80] =	vst v2;
	v1 =	vmul.f32 $8.000000000e+00, v1;
	v2 =	vld [tilespmem:s1+$0xFFFFFFF0]  }
0xee: {  	[tilespmem:s1+$0xFFFFFF90] =	vst v0;
	v0 =	vmul.f32 $8.000000000e+00, v5;
	v5 =	vld [tilespmem:s1+$0x0]  }
0xef: {  	[tilespmem:s1+$0xFFFFFFA0] =	vst v1;
	v1 =	vmul.f32 $8.000000000e+00, v6;
	v6 =	vld [tilespmem:s1+$0x10]  }
0xf0: {  	[tilespmem:s1+$0xFFFFFFB0] =	vst v0;
	v0 =	vmul.f32 $8.000000000e+00, v3;
	v3 =	vld [tilespmem:s1+$0x20]  }
0xf1: {  	[tilespmem:s1+$0xFFFFFFC0] =	vst v1;
	v1 =	vmul.f32 $8.000000000e+00, v4;
	v4 =	vld [tilespmem:s1+$0x30]  }
0xf2: {  	[tilespmem:s1+$0xFFFFFFD0] =	vst v0;
	v0 =	vmul.f32 $8.000000000e+00, v2;
	v2 =	vld [tilespmem:s1+$0x40]  }
0xf3: {  	[tilespmem:s1+$0xFFFFFFE0] =	vst v1;
	v1 =	vmul.f32 $8.000000000e+00, v5;
	v5 =	vld [tilespmem:s1+$0x50]  }
0xf4: {  	[tilespmem:s1+$0xFFFFFFF0] =	vst v0;
	v0 =	vmul.f32 $8.000000000e+00, v6;
	v6 =	vld [tilespmem:s1+$0x60]  }
0xf5: {  	[tilespmem:s1+$0x0] =	vst v1;
	v1 =	vmul.f32 $8.000000000e+00, v3;
	v3 =	vld [tilespmem:s1+$0x70]  }
0xf6: {  	[tilespmem:s1+$0x10] =	vst v0;
	v0 =	vmul.f32 $8.000000000e+00, v4;
	v4 =	vld [tilespmem:s1+$0x80]  }
0xf7: {  	[tilespmem:s1+$0x20] =	vst v1;
	v1 =	vmul.f32 $8.000000000e+00, v2;
	v7 =	vld [tilespmem:s1+$0x90]  }
0xf8: {  	[tilespmem:s1+$0x30] =	vst v0;
	v2 =	vmul.f32 $8.000000000e+00, v5;
	v8 =	vld [tilespmem:s1+$0xA0]  }
.Ltmp2:
0xf9: {  	[tilespmem:s1+$0x40] =	vst v1;
	v5 =	vmul.f32 $8.000000000e+00, v6;
	v0 =	vld [tilespmem:s1+$0xB0];
	(pc) =	sbr.rel @p1 .LBB2_7-.Ltmp2, $4  }
0xfa: {  	[tilespmem:s1+$0x50] =	vst v2;
	v3 =	vmul.f32 $8.000000000e+00, v3;
	v1 =	vld [tilespmem:s1+$0xC0]  }
0xfb: {  	[tilespmem:s1+$0x60] =	vst v5;
	v6 =	vmul.f32 $8.000000000e+00, v4;
	v2 =	vld [tilespmem:s1+$0xD0]  }
0xfc: {  	[tilespmem:s1+$0x70] =	vst v3;
	v5 =	vmul.f32 $8.000000000e+00, v7;
	v3 =	vld [tilespmem:s1+$0xE0]  }
0xfd: {  	s1 =	sadd.s32 $0x200, s1;
	v4 =	vld [tilespmem:s28+$0xFFFFFF00];
	[tilespmem:s28+$0x80] =	vst v6;
	v6 =	vmul.f32 $8.000000000e+00, v8  }
0xfe: {  	[tilespmem:s28+$0x90] =	vst v5;
	v0 =	vmul.f32 $8.000000000e+00, v0  }
0xff: {  	[tilespmem:s28+$0xA0] =	vst v6;
	v1 =	vmul.f32 $8.000000000e+00, v1  }
0x100: {  	[tilespmem:s28+$0xB0] =	vst v0;
	v0 =	vmul.f32 $8.000000000e+00, v2  }
0x101: {  	s25 =	sadd.s32 s4, s25;
	[tilespmem:s28+$0xC0] =	vst v1;
	v1 =	vmul.f32 $8.000000000e+00, v3  }
0x102: {  	s1 =	smul.u32 $0x640, s25;
	v2 =	vmul.f32 $8.000000000e+00, v4;
	[tilespmem:s28+$0xD0] =	vst v0  }
0x103: {  	[tilespmem:s28+$0xE0] =	vst v1  }
0x104: {  	s1 =	sadd.s32 s2, s1;
	[tilespmem:s28+$0xFFFFFF00] =	vst v2  }
0x105: {  	[hbm4b:s1+s3] =	stream.linear.scatter [tilespmem:s13], [sflag:$0x7], $0x1800, $0x38;
	[tilespmem:$0xCC00] =	vst v63  }
0x106: {  	s1 =	simm.s32 @!p0 $0x6  }
0x107: {  	_ =	swait.ge @!p0 [sflag:s1], $0x1A00  }
0x108: {  	s28 =	simm.s32 @!p0 $0x7E00;
	[sflag:s1] =	ssyncset.done @!p0 $0x0  }
0x109: {  	[sflag:s1] =	ssyncadd.s32 @!p0 $0xFFFFE600;
	s1 =	sadd.s32 @!p0 $0x60, s26;
	s26 =	simm.s32 @!p0 $0x68  }
0x10a: {  	[tilespmem:s28], [sflag:$0x2] =	stream.indirect.gather @!p0 [hbm4b:s5+s26], $0x40, s1, s26, $0xb8;
	[tilespmem:$0xCC00] =	vst v63  }
0x10b: {  	_ =	swait.ge [sflag:s18], $0x1A00  }
0x10c: {  	[sflag:s18] =	ssyncset.done $0x0  }
0x10d: {  	s26 =	simm.s32 $0xB300;
	[sflag:s18] =	ssyncadd.s32 $0xFFFFE600  }
0x10e: {  	v0 =	vld [tilespmem:s26+$0xF0]  }
0x10f: {  	v1 =	vld [tilespmem:s26+$0xFFFFFF10]  }
0x110: {  	v2 =	vld [tilespmem:s26+$0xFFFFFF20]  }
0x111: {  	v3 =	vld [tilespmem:s26+$0xFFFFFF30]  }
0x112: {  	v4 =	vld [tilespmem:s26+$0xFFFFFF40]  }
0x113: {  	v5 =	vld [tilespmem:s26+$0xFFFFFF50];
	v0 =	vmul.f32 $8.000000000e+00, v0  }
0x114: {  	v6 =	vld [tilespmem:s26+$0xFFFFFF60];
	v1 =	vmul.f32 $8.000000000e+00, v1  }
0x115: {  	v7 =	vld [tilespmem:s26+$0xFFFFFF70];
	v2 =	vmul.f32 $8.000000000e+00, v2;
	[tilespmem:s26+$0xF0] =	vst v0  }
0x116: {  	[tilespmem:s26+$0xFFFFFF10] =	vst v1;
	v0 =	vmul.f32 $8.000000000e+00, v3;
	v1 =	vld [tilespmem:s26+$0xFFFFFF80]  }
0x117: {  	[tilespmem:s26+$0xFFFFFF20] =	vst v2;
	v2 =	vmul.f32 $8.000000000e+00, v4;
	v3 =	vld [tilespmem:s26+$0xFFFFFF90]  }
0x118: {  	v4 =	vld [tilespmem:s26+$0xFFFFFFA0];
	[tilespmem:s26+$0xFFFFFF30] =	vst v0;
	v0 =	vmul.f32 $8.000000000e+00, v5  }
0x119: {  	[tilespmem:s26+$0xFFFFFF40] =	vst v2;
	v2 =	vmul.f32 $8.000000000e+00, v6;
	v5 =	vld [tilespmem:s26+$0xFFFFFFB0]  }
0x11a: {  	v6 =	vld [tilespmem:s26+$0xFFFFFFC0];
	[tilespmem:s26+$0xFFFFFF50] =	vst v0;
	v0 =	vmul.f32 $8.000000000e+00, v7  }
0x11b: {  	[tilespmem:s26+$0xFFFFFF60] =	vst v2;
	v2 =	vld [tilespmem:s26+$0xFFFFFFD0];
	v1 =	vmul.f32 $8.000000000e+00, v1  }
0x11c: {  	[tilespmem:s26+$0xFFFFFF70] =	vst v0;
	v0 =	vmul.f32 $8.000000000e+00, v3;
	v3 =	vld [tilespmem:s26+$0xFFFFFFE0]  }
0x11d: {  	[tilespmem:s26+$0xFFFFFF80] =	vst v1;
	v1 =	vmul.f32 $8.000000000e+00, v4;
	v4 =	vld [tilespmem:s26+$0xFFFFFFF0]  }
0x11e: {  	[tilespmem:s26+$0xFFFFFF90] =	vst v0;
	v0 =	vmul.f32 $8.000000000e+00, v5;
	v5 =	vld [tilespmem:s26+$0x0]  }
0x11f: {  	[tilespmem:s26+$0xFFFFFFA0] =	vst v1;
	v1 =	vmul.f32 $8.000000000e+00, v6;
	v6 =	vld [tilespmem:s26+$0x10]  }
0x120: {  	[tilespmem:s26+$0xFFFFFFB0] =	vst v0;
	v0 =	vmul.f32 $8.000000000e+00, v2;
	v2 =	vld [tilespmem:s26+$0x20]  }
0x121: {  	[tilespmem:s26+$0xFFFFFFC0] =	vst v1;
	v1 =	vmul.f32 $8.000000000e+00, v3;
	v3 =	vld [tilespmem:s26+$0x30]  }
0x122: {  	[tilespmem:s26+$0xFFFFFFD0] =	vst v0;
	v0 =	vmul.f32 $8.000000000e+00, v4;
	v4 =	vld [tilespmem:s26+$0x40]  }
0x123: {  	[tilespmem:s26+$0xFFFFFFE0] =	vst v1;
	v1 =	vmul.f32 $8.000000000e+00, v5;
	v5 =	vld [tilespmem:s26+$0x50]  }
0x124: {  	[tilespmem:s26+$0xFFFFFFF0] =	vst v0;
	v0 =	vmul.f32 $8.000000000e+00, v6;
	v6 =	vld [tilespmem:s26+$0x60]  }
0x125: {  	[tilespmem:s26+$0x0] =	vst v1;
	v1 =	vmul.f32 $8.000000000e+00, v2;
	v2 =	vld [tilespmem:s26+$0x70]  }
0x126: {  	[tilespmem:s26+$0x10] =	vst v0;
	v0 =	vmul.f32 $8.000000000e+00, v3;
	v3 =	vld [tilespmem:s26+$0x80]  }
0x127: {  	[tilespmem:s26+$0x20] =	vst v1;
	v1 =	vmul.f32 $8.000000000e+00, v4;
	v4 =	vld [tilespmem:s26+$0x90]  }
0x128: {  	v7 =	vld [tilespmem:s26+$0xA0];
	[tilespmem:s26+$0x30] =	vst v0;
	v5 =	vmul.f32 $8.000000000e+00, v5  }
0x129: {  	v0 =	vld [tilespmem:s26+$0xB0];
	[tilespmem:s26+$0x40] =	vst v1;
	v6 =	vmul.f32 $8.000000000e+00, v6  }
0x12a: {  	v1 =	vld [tilespmem:s26+$0xC0];
	[tilespmem:s26+$0x50] =	vst v5;
	v2 =	vmul.f32 $8.000000000e+00, v2  }
0x12b: {  	[tilespmem:s26+$0x60] =	vst v6;
	v6 =	vmul.f32 $8.000000000e+00, v3;
	v3 =	vld [tilespmem:s26+$0xD0]  }
0x12c: {  	[tilespmem:s26+$0x70] =	vst v2;
	v2 =	vld [tilespmem:s26+$0xE0];
	v5 =	vmul.f32 $8.000000000e+00, v4  }
0x12d: {  	s28 =	simm.s32 $0x0;
	s1 =	simm.s32 $0xB500;
	v4 =	vld [tilespmem:s26+$0xFFFFFF00];
	[tilespmem:s26+$0x80] =	vst v6;
	v6 =	vmul.f32 $8.000000000e+00, v7  }
.LBB2_9:
0x12e: {  	v7 =	vld [tilespmem:s1+$0xF0];
	s28 =	sadd.s32 $0x8, s28;
	[tilespmem:s26+$0x90] =	vst v5;
	v0 =	vmul.f32 $8.000000000e+00, v0  }
0x12f: {  	v5 =	vld [tilespmem:s1+$0xFFFFFF10];
	p0 =	slt.u32 s28, $0x60;
	[tilespmem:s26+$0xA0] =	vst v6;
	v1 =	vmul.f32 $8.000000000e+00, v1  }
0x130: {  	v6 =	vld [tilespmem:s1+$0xFFFFFF20];
	[tilespmem:s26+$0xB0] =	vst v0;
	v0 =	vmul.f32 $8.000000000e+00, v3  }
0x131: {  	v3 =	vld [tilespmem:s1+$0xFFFFFF30];
	[tilespmem:s26+$0xC0] =	vst v1;
	v1 =	vmul.f32 $8.000000000e+00, v2  }
0x132: {  	v2 =	vld [tilespmem:s1+$0xFFFFFF40];
	v4 =	vmul.f32 $8.000000000e+00, v4;
	[tilespmem:s26+$0xD0] =	vst v0  }
0x133: {  	v0 =	vld [tilespmem:s1+$0xFFFFFF50];
	v7 =	vmul.f32 $8.000000000e+00, v7;
	[tilespmem:s26+$0xE0] =	vst v1  }
0x134: {  	v1 =	vmul.f32 $8.000000000e+00, v5;
	v5 =	vld [tilespmem:s1+$0xFFFFFF60];
	[tilespmem:s26+$0xFFFFFF00] =	vst v4;
	s26 =	smov.u32 s1  }
0x135: {  	v4 =	vmul.f32 $8.000000000e+00, v6;
	v6 =	vld [tilespmem:s1+$0xFFFFFF70];
	[tilespmem:s1+$0xF0] =	vst v7  }
0x136: {  	[tilespmem:s1+$0xFFFFFF10] =	vst v1;
	v1 =	vmul.f32 $8.000000000e+00, v3;
	v3 =	vld [tilespmem:s1+$0xFFFFFF80]  }
0x137: {  	[tilespmem:s1+$0xFFFFFF20] =	vst v4;
	v2 =	vmul.f32 $8.000000000e+00, v2;
	v4 =	vld [tilespmem:s1+$0xFFFFFF90]  }
0x138: {  	[tilespmem:s1+$0xFFFFFF30] =	vst v1;
	v0 =	vmul.f32 $8.000000000e+00, v0;
	v1 =	vld [tilespmem:s1+$0xFFFFFFA0]  }
0x139: {  	[tilespmem:s1+$0xFFFFFF40] =	vst v2;
	v2 =	vmul.f32 $8.000000000e+00, v5;
	v5 =	vld [tilespmem:s1+$0xFFFFFFB0]  }
0x13a: {  	[tilespmem:s1+$0xFFFFFF50] =	vst v0;
	v0 =	vmul.f32 $8.000000000e+00, v6;
	v6 =	vld [tilespmem:s1+$0xFFFFFFC0]  }
0x13b: {  	[tilespmem:s1+$0xFFFFFF60] =	vst v2;
	v2 =	vmul.f32 $8.000000000e+00, v3;
	v3 =	vld [tilespmem:s1+$0xFFFFFFD0]  }
0x13c: {  	[tilespmem:s1+$0xFFFFFF70] =	vst v0;
	v0 =	vmul.f32 $8.000000000e+00, v4;
	v4 =	vld [tilespmem:s1+$0xFFFFFFE0]  }
0x13d: {  	[tilespmem:s1+$0xFFFFFF80] =	vst v2;
	v1 =	vmul.f32 $8.000000000e+00, v1;
	v2 =	vld [tilespmem:s1+$0xFFFFFFF0]  }
0x13e: {  	[tilespmem:s1+$0xFFFFFF90] =	vst v0;
	v0 =	vmul.f32 $8.000000000e+00, v5;
	v5 =	vld [tilespmem:s1+$0x0]  }
0x13f: {  	[tilespmem:s1+$0xFFFFFFA0] =	vst v1;
	v1 =	vmul.f32 $8.000000000e+00, v6;
	v6 =	vld [tilespmem:s1+$0x10]  }
0x140: {  	[tilespmem:s1+$0xFFFFFFB0] =	vst v0;
	v0 =	vmul.f32 $8.000000000e+00, v3;
	v3 =	vld [tilespmem:s1+$0x20]  }
0x141: {  	[tilespmem:s1+$0xFFFFFFC0] =	vst v1;
	v1 =	vmul.f32 $8.000000000e+00, v4;
	v4 =	vld [tilespmem:s1+$0x30]  }
0x142: {  	[tilespmem:s1+$0xFFFFFFD0] =	vst v0;
	v0 =	vmul.f32 $8.000000000e+00, v2;
	v2 =	vld [tilespmem:s1+$0x40]  }
0x143: {  	[tilespmem:s1+$0xFFFFFFE0] =	vst v1;
	v1 =	vmul.f32 $8.000000000e+00, v5;
	v5 =	vld [tilespmem:s1+$0x50]  }
0x144: {  	[tilespmem:s1+$0xFFFFFFF0] =	vst v0;
	v0 =	vmul.f32 $8.000000000e+00, v6;
	v6 =	vld [tilespmem:s1+$0x60]  }
0x145: {  	[tilespmem:s1+$0x0] =	vst v1;
	v1 =	vmul.f32 $8.000000000e+00, v3;
	v3 =	vld [tilespmem:s1+$0x70]  }
0x146: {  	[tilespmem:s1+$0x10] =	vst v0;
	v0 =	vmul.f32 $8.000000000e+00, v4;
	v4 =	vld [tilespmem:s1+$0x80]  }
0x147: {  	[tilespmem:s1+$0x20] =	vst v1;
	v1 =	vmul.f32 $8.000000000e+00, v2;
	v2 =	vld [tilespmem:s1+$0x90]  }
0x148: {  	[tilespmem:s1+$0x30] =	vst v0;
	v5 =	vmul.f32 $8.000000000e+00, v5;
	v7 =	vld [tilespmem:s1+$0xA0]  }
.Ltmp3:
0x149: {  	[tilespmem:s1+$0x40] =	vst v1;
	v6 =	vmul.f32 $8.000000000e+00, v6;
	v0 =	vld [tilespmem:s1+$0xB0];
	(pc) =	sbr.rel @p0 .LBB2_9-.Ltmp3, $4  }
0x14a: {  	[tilespmem:s1+$0x50] =	vst v5;
	v5 =	vmul.f32 $8.000000000e+00, v3;
	v1 =	vld [tilespmem:s1+$0xC0]  }
0x14b: {  	[tilespmem:s1+$0x60] =	vst v6;
	v6 =	vmul.f32 $8.000000000e+00, v4;
	v3 =	vld [tilespmem:s1+$0xD0]  }
0x14c: {  	[tilespmem:s1+$0x70] =	vst v5;
	v5 =	vmul.f32 $8.000000000e+00, v2;
	v2 =	vld [tilespmem:s1+$0xE0]  }
0x14d: {  	s1 =	sadd.s32 $0x200, s1;
	v4 =	vld [tilespmem:s26+$0xFFFFFF00];
	[tilespmem:s26+$0x80] =	vst v6;
	v6 =	vmul.f32 $8.000000000e+00, v7  }
0x14e: {  	[tilespmem:s26+$0x90] =	vst v5;
	v0 =	vmul.f32 $8.000000000e+00, v0  }
0x14f: {  	s24 =	sadd.s32 $0x1, s24;
	[tilespmem:s26+$0xA0] =	vst v6;
	v1 =	vmul.f32 $8.000000000e+00, v1  }
0x150: {  	s1 =	smul.u32 $0x3200, s25;
	p0 =	sne.s32 s24, $0x40;
	[tilespmem:s26+$0xB0] =	vst v0;
	v61 =	vmul.f32 $8.000000000e+00, v3  }
.Ltmp4:
0x151: {  	[tilespmem:s26+$0xC0] =	vst v1;
	v62 =	vmul.f32 $8.000000000e+00, v2;
	(pc) =	sbr.rel @p0 .LBB2_2-.Ltmp4, $4  }
0x152: {  	s1 =	sshrl.u32 s1, $0x3;
	v63 =	vmul.f32 $8.000000000e+00, v4;
	[tilespmem:s26+$0xD0] =	vst v61  }
0x153: {  	s1 =	sadd.s32 s2, s1;
	[tilespmem:s26+$0xE0] =	vst v62  }
0x154: {  	s1 =	sadd.s32 $0x300, s1;
	[tilespmem:s26+$0xFFFFFF00] =	vst v63  }
0x155: {  	[hbm4b:s1+s3] =	stream.linear.scatter [tilespmem:s15], [sflag:$0x8], $0x1A00, $0x38;
	[tilespmem:$0xCC00] =	vst v63  }
0x156: {  	_ =	swait.ge [sflag:s19], $0x1800  }
0x157: {  	[sflag:s19] =	ssyncset.done $0x0  }
0x158: {  	[sflag:s19] =	ssyncadd.s32 $0xFFFFE800  }
0x159: {  	_ =	swait.ge [sflag:s20], $0x1A00  }
0x15a: {  	[sflag:s20] =	ssyncset.done $0x0  }
0x15b: {  	s23 =	sadd.s32 $0x1, s23;
	[sflag:s20] =	ssyncadd.s32 $0xFFFFE600  }
0x15c: {  	p0 =	sne.s32 s23, s7;
	_ =	swait.ge [sflag:s21], $0x1800  }
.Ltmp5:
0x15d: {  	[sflag:s21] =	ssyncset.done $0x0;
	(pc) =	sbr.rel @p0 .LBB2_1-.Ltmp5, $4  }
0x15e: {  	[sflag:s21] =	ssyncadd.s32 $0xFFFFE800  }
0x15f: {  	_ =	swait.ge [sflag:s22], $0x1A00  }
0x160: {  	[sflag:s22] =	ssyncset.done $0x0  }
0x161: {  	[sflag:s22] =	ssyncadd.s32 $0xFFFFE600  }
0x162: {  	_ =	sfence.sel $0x180000  }
0x163: {  	[bflag:$0x0] =	sbarrier.arrive $0xFFFF  }
0x164: {  	_ =	strace $0x90000047  }
0x165: {  	[bflag:$0x2] =	sbarrier.arrive $0xFFFF  }
0x166: {  	p0 =	sne.s32 s0, $0x0;
	s0 =	rddreg [dreg:$0x2]  }
0x167: {  	s0 =	sadd.s32 @!p0 $0x100000, s0  }
0x168: {  	[sflag:s0] =	ssyncadd.tile.s32 @!p0 $0x1;
	_ =	shalt  }
.Lfunc_end2:
_tile_overlayer_lowered:
.L_overlay_start_2:
0x169: {  	(tag) =	ssettag $0x2  }
0x16a: {  	s0 =	rddreg [dreg:$0x0];
	s2 =	stileid.u32  }
0x16b: {  	s1 =	rddreg [dreg:$0x1];
	p0 =	sne.s32 s2, $0x0  }
0x16c: {  	s3 =	rddreg [dreg:$0x2];
	[bflag:$0x3] =	sbarrier.arrive $0xFFFF;
	s2 =	simm.s32 @!p0 $0x1C09  }
0x16d: {  	[timem:s3], [sflag:s2] =	dma.local @!p0 [hbm:s0], s1  }
0x16e: {  	s0 =	simm.s32 @!p0 $0x9  }
0x16f: {  	_ =	swait.ge @!p0 [sflag:s0], s1  }
0x170: {  	s1 =	ssub.s32 @!p0 $0x0, s1;
	[sflag:s0] =	ssyncset.done @!p0 $0x0  }
0x171: {  	[sflag:s0] =	ssyncadd.s32 @!p0 s1  }
0x172: {  	[bflag:$0x3] =	sbarrier.arrive $0xFFFF  }
0x173: {  	_ =	shalt  }

// kernel: sparse-core-data-format-call.cloned.1.call-start
scs
called_computation_lowered:
.L_overlay_start_0:
0x0: {  	s2 =	sld [smem:$0x3FD9]  }
0x1: {  	s3 =	sld [smem:$0x3FFE];
	_ =	sdelay $0x1  }
0x2: {  	s1 =	srdreg.scid  }
0x3: {  	s0 =	sand.u32 $0x1, s1  }
0x4: {  	s18 =	sshll.u32 s0, $0xA;
	s2 =	sadd.s32 s3, s2  }
0x5: {  	s2 =	sadd.s32 s2, s18  }
0x6: {  	[smem:$0x3FC6] =	sst s2  }
0x7: {  	_ = 	snop  }
0x8: {  	s2 =	sld [smem:$0x3FD0];
	(tm) =	ssettm $0x1  }
0x9: {  	s19 =	sld [smem:$0x3FFB];
	_ =	sdelay $0x3  }
0xa: {  	_ =	strace s19  }
0xb: {  	s3 =	sld [smem:$0x3FFC];
	_ =	sdelay $0x3  }
0xc: {  	_ =	strace s3  }
0xd: {  	s3 =	sld [smem:$0x3FFD];
	_ =	sdelay $0x3  }
0xe: {  	_ =	strace s3  }
0xf: {  	_ =	strace $0x8FFFFFFF  }
0x10: {  	s20 =	sld [smem:$0x3FDB];
	_ =	sdelay $0x1  }
0x11: {  	s4 =	simm.s32 $_scs_section_size  }
0x12: {  	s5 =	simm.s32 $_size__tile_overlayer_lowered;
	s6 =	simm.s32 $_tile_overlayer_lowered  }
0x13: {  	s23 =	simm.s32 $0x1BFF;
	s22 =	sshll.u32 s6, $0x1;
	s3 =	sadd.s32 s4, s20  }
0x14: {  	s7 =	simm.s32 $0x0;
	s21 =	sshll.u32 s5, $0x1;
	s5 =	sadd.s32 s22, s3  }
0x15: {  	[timem:s7], [sflag:s23] =	dma.local [hbm:s5], s21  }
0x16: {  	_ =	swait.ge [sflag:s23], s21  }
0x17: {  	s4 =	ssub.s32 $0x0, s21;
	[sflag:s23] =	ssyncset.done $0x0  }
0x18: {  	[sflag:s23] =	ssyncadd.s32 s4;
	_ =	sdelay $0x1  }
0x19: {  	s24 =	simm.s32 $0x1B8B  }
0x1a: {  	_ =	swait.ge [sflag:s24], $0x1  }
0x1b: {  	[sflag:s24] =	ssyncset.done $0x0  }
0x1c: {  	s26 =	simm.s32 $0x1B8E;
	s25 =	sld [smem:$0x3FFE];
	[sflag:s24] =	ssyncadd.s32 $0xFFFFFFFF  }
0x1d: {  	s27 =	simm.s32 $execute0_lowered;
	[smem:$0x3FD2] =	sst s26  }
0x1e: {  	s5 =	sshll.u32 s27, $0x1;
	_ =	strace $0x80000049;
	[dreg:$0x1] =	wrdreg $0xFFFFFFFF  }
0x1f: {  	s28 =	simm.s32 $_size_execute0_lowered;
	s3 =	sadd.s32 s3, s5;
	[dreg:$0x0] =	wrdreg $0x0  }
0x20: {  	s5 =	sshll.u32 s28, $0x1;
	[dreg:$0x2] =	wrdreg s3  }
0x21: {  	[dreg:$0x3] =	wrdreg s5  }
0x22: {  	[dreg:$0x4] =	wrdreg $0xC0  }
0x23: {  	_ =	task [dreg:s7], $0x5FFFF  }
0x24: {  	[dreg:$0x1] =	wrdreg $0xFFFFFFFF  }
0x25: {  	[dreg:$0x0] =	wrdreg $0x60  }
0x26: {  	[dreg:$0x2] =	wrdreg s25  }
0x27: {  	[dreg:$0x3] =	wrdreg s2  }
0x28: {  	[dreg:$0x4] =	wrdreg $0x9  }
0x29: {  	_ =	task.clear_ibuf [dreg:s7], $0x5FFFF;
	_ =	strace $0x90000049  }
0x2a: {  	s29 =	simm.s32 $0x9;
	_ =	strace $0x8000004B  }
0x2b: {  	_ =	swait.ge [sflag:s29], $0x1  }
0x2c: {  	[sflag:s29] =	ssyncadd.s32 $0xFFFFFFFF  }
0x2d: {  	_ =	strace $0x9000004B  }
0x2e: {  	_ =	sfence  }
0x2f: {  	s30 =	sld [smem:$0x0];
	_ =	sdelay $0x2  }
0x30: {  	s31 =	sshll.u32 s1, $0xD;
	s1 =	sshrl.u32 s1, $0x2  }
0x31: {  	s3 =	sand.u32 $0x4000, s31;
	s1 =	sadd.s32 s1, s30  }
0x32: {  	s0 =	sor.u32 s3, s0;
	s1 =	sshll.u32 s1, $0x11  }
0x33: {  	s0 =	sor.u32 s1, s0  }
0x34: {  	s0 =	sadd.s32 $0x8F2B, s0  }
0x35: {  	[sflag:s0] =	ssyncadd.remote.s32 $0x1  }
0x36: {  	_ =	sfence.sel $0xFFFF  }
0x37: {  	[dreg:$0x0] =	wrdreg $0xFFFFFFFF;
	(pc) =	sbr.abs _section_cstart, $3  }
0x38: {  	[dreg:$0x1] =	wrdreg $0xFFFFFFFF  }
0x39: {  	_ =	task.clear_ibuf [dreg:s7], $0x2FFFF;
	_ =	strace $0x9FFFFFFF  }
0x3a: {  	(tm) =	ssettm $0x7FFFFFFF  }
0x3b: {  	_ =	shalt  }
tec
execute0_lowered:
.L_overlay_start_1:
0x0: {  	(tag) =	ssettag $0x1  }
0x1: {  	s0 =	srdreg.scid  }
0x2: {  	s1 =	sshll.u32 s0, $0x4  }
0x3: {  	s0 =	stileid.u32;
	s1 =	sand.u32 $0x10, s1  }
0x4: {  	s1 =	sor.u32 s0, s1  }
0x5: {  	s6 =	rddreg [dreg:$0x0];
	s4 =	simm.s32 $0x1;
	s2 =	sshll.u32 s1, $0x7  }
0x6: {  	s7 =	simm.s32 $0x2;
	s12 =	simm.s32 $0x0;
	s1 =	ssub.s32 $0x1000, s2  }
0x7: {  	s8 =	simm.s32 $0x8000;
	s13 =	simm.s32 $0x0;
	s3 =	sand.u32 $0xF80, s1  }
0x8: {  	s9 =	simm.s32 $0x0;
	s5 =	sshrl.u32 s1, $0xC;
	p0 =	sne.s32 s3, $0x0  }
.Ltmp0:
0x9: {  	s1 =	rddreg [dreg:$0x2];
	s4 =	simm.s32 @!p0 $0x0;
	(pc) =	sbr.rel .LBB1_1-.Ltmp0, $4  }
0xa: {  	s11 =	simm.s32 $0x0;
	s3 =	rddreg [dreg:$0x1];
	s5 =	sadd.s32 s4, s5  }
0xb: {  	_ =	strace $0x8000004A;
	s4 =	simm.s32 $0x1;
	s5 =	smul.u32 $0xC8, s5  }
0xc: {  	s6 =	sadd.s32 $0xA00, s6;
	s10 =	smov.u32 s2;
	[sflag:s4] =	ssyncpa.u1 $0x0  }
0xd: {  	p0 =	por $0x0, $0x0;
	[sflag:s7] =	ssyncpa.u1 $0x0;
	s7 =	sor.u32 $0x1, s5  }
.LBB1_4:
0xe: {  	s16 =	sshll.u32 s13, $0x3;
	s17 =	sand.u32 $0x78, s13  }
0xf: {  	s30 =	sand.u32 $0x7E00, s13;
	s12 =	sshll.u32 s12, $0xF;
	s16 =	sand.u32 $0xC00, s16  }
0x10: {  	[tilespmem:s15+$0x810 ss:$0x81] =	vst.msk $0xffff, v2;
	s31 =	sand.u32 $0x7, s13;
	s16 =	sor.u32 s17, s16;
	s17 =	sadd.s32 s3, s30  }
0x11: {  	[tilespmem:s15+$0x1020 ss:$0x81] =	vst.msk $0xffff, v0;
	s13 =	sshll.u32 s31, $0x12;
	s12 =	sadd.s32 s12, s17;
	s16 =	sshrl.u32 s16, $0x3  }
0x12: {  	[tilespmem:s15+$0x0 ss:$0x81] =	vst.msk $0xffff, v1;
	s13 =	sor.u32 $0x400, s13;
	s12 =	sadd.s32 s16, s12  }
0x13: {  	[hbm4b:s12+s13] =	stream.strided.scatter [tilespmem:s14], [sflag:$0x2], $0x2000, s8, s13, $0x20;
	[tilespmem:$0x8080] =	vst v63  }
.LBB1_5:
0x14: {  	s14 =	sadd.s32 $0x1, s9  }
0x15: {  	s12 =	sadd.s32 $0x1000, s10;
	s16 =	smov.u32 s10;
	p2 =	sgt.s32 s14, $0xC7  }
0x16: {  	s16 =	smov.u32 @p2 s12  }
0x17: {  	s14 =	simm.s32 @p2 $0x0;
	p2 =	sgt.s32 s16, $0xFFF  }
0x18: {  	s16 =	smov.u32 @p2 s2;
	p2 =	sne.s32 s11, s7  }
.Ltmp1:
0x19: {  	p1 =	slt.u32 s11, $0x2;
	(pc) =	sbr.rel @!p2 .LBB1_6-.Ltmp1, $4  }
0x1a: {  	s15 =	simm.s32 @!p1 $0x2  }
0x1b: {  	s13 =	smov.u32 s10;
	p0 =	por !p0, !p0;
	_ =	swait.ge @!p1 [sflag:s15], $0x2000  }
0x1c: {  	s12 =	smov.u32 s9;
	[sflag:s15] =	ssyncset.done @!p1 $0x0;
	s9 =	smov.u32 s14  }
0x1d: {  	s11 =	sadd.s32 $0x1, s11;
	[sflag:s15] =	ssyncadd.s32 @!p1 $0xFFFFE000;
	s10 =	smov.u32 s16  }
.LBB1_1:
0x1e: {  	p1 =	sge.u32 s11, s5  }
0x1f: {  	s14 =	sand.u32 @!p1 $0x1FFFFFF, s9  }
0x20: {  	s15 =	smulhi.u32 @!p1 $0x147AE15, s14;
	_ =	sdelay $0x1  }
0x21: {  	s15 =	smul.u32 @!p1 $0xC8, s15  }
0x22: {  	s16 =	sxor.u32 @!p1 $0xFFFFFFFF, s11;
	s17 =	smul.u32 @!p1 $0xC80, s10  }
0x23: {  	s31 =	sadd.s32 $0xFFFFFFFF, s11;
	s16 =	sshll.u32 @!p1 s16, $0xD;
	s14 =	ssub.s32 @!p1 s14, s15  }
0x24: {  	s15 =	sand.u32 @!p1 $0x2000, s16;
	s16 =	sadd.s32 @!p1 s6, s17;
	s14 =	sshll.u32 @!p1 s14, $0x4  }
0x25: {  	s17 =	simm.s32 @!p1 $0x6400;
	s14 =	sadd.s32 @!p1 s14, s16;
	s16 =	simm.s32 @!p1 $0x40  }
0x26: {  	[tilespmem:s15], [sflag:$0x1] =	stream.strided.gather @!p1 [hbm4b:s14+s16], $0x2000, s17, s16, $0x38;
	[tilespmem:$0x8080] =	vst v63  }
0x27: {  	p1 =	sge.u32 s31, s5  }
.Ltmp2:
0x28: {  	_ = 	snop;
	(pc) =	sbr.rel @p1 .LBB1_5-.Ltmp2, $1  }
0x29: {  	_ =	sdelay $0x3  }
0x2a: {  	s14 =	simm.s32 $0x1  }
0x2b: {  	_ =	swait.ge [sflag:s4], $0x2000;
	s14 =	simm.s32 @!p0 $0x0  }
0x2c: {  	[sflag:s4] =	ssyncset.done $0x0;
	s15 =	sshll.u32 s14, $0xD  }
0x2d: {  	[sflag:s4] =	ssyncadd.s32 $0xFFFFE000;
	s18 =	sor.u32 $0x20, s15  }
0x2e: {  	s14 =	smul.u32 $0x8100, s14;
	v3 =	vld [tilespmem:s18+$0x10]  }
0x2f: {  	s30 =	sand.u32 $0x1, s11;
	v2 =	vld [tilespmem:s18+$0xFFFFFFF0]  }
0x30: {  	s15 =	smul.u32 $0x8100, s30;
	s14 =	sshrl.u32 s14, $0x2;
	v0 =	vld [tilespmem:s18+$0x0]  }
0x31: {  	v1 =	vld [tilespmem:s18+$0xFFFFFFE0];
	s16 =	sor.u32 $0x4000, s14  }
0x32: {  	s31 =	sshrl.u32 s15, $0x2;
	s15 =	sadd.s32 $0x0, s16  }
0x33: {  	s17 =	simm.s32 $0x4;
	s18 =	sadd.s32 $0x40, s18;
	s14 =	sor.u32 $0x4000, s31;
	[tilespmem:s15+$0x1830 ss:$0x81] =	vst.msk $0xffff, v3  }
.LBB1_3:
0x34: {  	v3 =	vld [tilespmem:s18+$0x10];
	p1 =	sne.s32 s17, $0x1FC;
	[tilespmem:s15+$0x810 ss:$0x81] =	vst.msk $0xffff, v2;
	s19 =	smov.u32 s17;
	s17 =	sadd.s32 $0x4, s17  }
.Ltmp3:
0x35: {  	v2 =	vld [tilespmem:s18+$0xFFFFFFF0];
	[tilespmem:s15+$0x1020 ss:$0x81] =	vst.msk $0xffff, v0;
	(pc) =	sbr.rel @p1 .LBB1_3-.Ltmp3, $4  }
0x36: {  	v0 =	vld [tilespmem:s18+$0x0];
	[tilespmem:s15+$0x0 ss:$0x81] =	vst.msk $0xffff, v1  }
0x37: {  	s15 =	sshra.s32 s19, $0x2;
	v1 =	vld [tilespmem:s18+$0xFFFFFFE0]  }
0x38: {  	s15 =	sadd.s32 s15, s16  }
0x39: {  	s18 =	sadd.s32 $0x40, s18;
	[tilespmem:s15+$0x1830 ss:$0x81] =	vst.msk $0xffff, v3  }
.Ltmp4:
0x3a: {  	_ = 	snop;
	(pc) =	sbr.rel .LBB1_4-.Ltmp4, $1  }
0x3b: {  	_ =	sdelay $0x3  }
.LBB1_6:
0x3c: {  	_ =	sfence.sel $0x180000  }
0x3d: {  	s2 =	simm.s32 $0x1;
	[bflag:$0x0] =	sbarrier.arrive $0xFFFF  }
0x3e: {  	s31 =	simm.s32 $0x2;
	[sflag:s2] =	ssyncpa.u1 $0x1  }
0x3f: {  	[sflag:s31] =	ssyncpa.u1 $0x1  }
0x40: {  	p0 =	sne.s32 s0, $0x0;
	_ =	strace $0x9000004A  }
0x41: {  	s0 =	sadd.s32 @!p0 $0x100000, s1;
	[bflag:$0x2] =	sbarrier.arrive $0xFFFF  }
0x42: {  	[sflag:s0] =	ssyncadd.tile.s32 @!p0 $0x1;
	_ =	shalt  }
.Lfunc_end1:
_tile_overlayer_lowered:
.L_overlay_start_2:
0x43: {  	(tag) =	ssettag $0x2  }
0x44: {  	s0 =	rddreg [dreg:$0x0];
	s2 =	stileid.u32  }
0x45: {  	s1 =	rddreg [dreg:$0x1];
	p0 =	sne.s32 s2, $0x0  }
0x46: {  	s3 =	rddreg [dreg:$0x2];
	[bflag:$0x3] =	sbarrier.arrive $0xFFFF;
	s2 =	simm.s32 @!p0 $0x1C01  }
0x47: {  	[timem:s3], [sflag:s2] =	dma.local @!p0 [hbm:s0], s1  }
0x48: {  	s0 =	simm.s32 @!p0 $0x1  }
0x49: {  	_ =	swait.ge @!p0 [sflag:s0], s1  }
0x4a: {  	s1 =	ssub.s32 @!p0 $0x0, s1;
	[sflag:s0] =	ssyncset.done @!p0 $0x0  }
0x4b: {  	[sflag:s0] =	ssyncadd.s32 @!p0 s1  }
0x4c: {  	[bflag:$0x3] =	sbarrier.arrive $0xFFFF  }
0x4d: {  	_ =	shalt  }

</sc_bundles>
